<compile_context>
chip_gen: v7x
topology: tpu7x:2x2x1
jax: 0.10.2.dev20260603
libtpu: 0.0.44.dev20260713+nightly
codegen_flags: <defaults>
</compile_context>

<pallas_src>
import jax
import jax.numpy as jnp
from jax.experimental import pallas as pl

NMS_THRESH = 0.5
SUBJECT_CATEGORY_ID = 0


def _dense_body(obj_logits_ref, verb_logits_ref, probs_ref, verb_ref):
    x = obj_logits_ref[...]
    m = jnp.max(x, axis=-1, keepdims=True)
    e = jnp.exp(x - m)
    probs_ref[...] = e / jnp.sum(e, axis=-1, keepdims=True)
    v = verb_logits_ref[...]
    verb_ref[...] = 1.0 / (1.0 + jnp.exp(-v))


def _cxcywh_to_xyxy(b):
    cx, cy, w, h = b[..., 0], b[..., 1], b[..., 2], b[..., 3]
    return jnp.stack([cx - 0.5 * w, cy - 0.5 * h, cx + 0.5 * w, cy + 0.5 * h], axis=-1)


def kernel(pred_obj_logits, pred_verb_logits, pred_sub_boxes, pred_obj_boxes, target_sizes, correct_mat):
    B, Q, C = pred_obj_logits.shape
    V = pred_verb_logits.shape[-1]

    probs, verb_scores = pl.pallas_call(
        _dense_body,
        out_shape=(
            jax.ShapeDtypeStruct((B, Q, C), jnp.float32),
            jax.ShapeDtypeStruct((B, Q, V), jnp.float32),
        ),
    )(pred_obj_logits, pred_verb_logits)

    cm = jnp.concatenate([correct_mat, jnp.ones((V, 1), correct_mat.dtype)], axis=1)
    obj_scores, topk_idx = jax.lax.top_k(probs.reshape(B, -1), 100)
    topk_boxes = topk_idx // C
    obj_labels = topk_idx % C
    vs = jnp.take_along_axis(verb_scores, topk_boxes[:, :, None], axis=1)
    sub_b = jnp.take_along_axis(pred_sub_boxes, topk_boxes[:, :, None], axis=1)
    obj_b = jnp.take_along_axis(pred_obj_boxes, topk_boxes[:, :, None], axis=1)
    img_h = target_sizes[:, 0].astype(jnp.float32)
    img_w = target_sizes[:, 1].astype(jnp.float32)
    scale = jnp.stack([img_w, img_h, img_w, img_h], axis=1)
    sub_boxes = _cxcywh_to_xyxy(sub_b) * scale[:, None, :]
    obj_boxes = _cxcywh_to_xyxy(obj_b) * scale[:, None, :]
    hoi_scores = vs * obj_scores[:, :, None]
    masks = cm.T[obj_labels]
    hoi_scores = hoi_scores * masks

    def _nms_one(sub_boxes_i, obj_boxes_i, hoi_i, lbl_i):
        n = lbl_i.shape[0]
        max_scores = jnp.max(hoi_i, axis=1)
        order = jnp.argsort(max_scores)[::-1]
        sb = sub_boxes_i[order]
        ob = obj_boxes_i[order]
        lbl = lbl_i[order]
        sub_areas = (sb[:, 2] - sb[:, 0] + 1) * (sb[:, 3] - sb[:, 1] + 1)
        obj_areas = (ob[:, 2] - ob[:, 0] + 1) * (ob[:, 3] - ob[:, 1] + 1)

        def _inter_union(bx, areas):
            xx1 = jnp.maximum(bx[:, None, 0], bx[None, :, 0])
            yy1 = jnp.maximum(bx[:, None, 1], bx[None, :, 1])
            xx2 = jnp.minimum(bx[:, None, 2], bx[None, :, 2])
            yy2 = jnp.minimum(bx[:, None, 3], bx[None, :, 3])
            w = jnp.maximum(0.0, xx2 - xx1 + 1)
            h = jnp.maximum(0.0, yy2 - yy1 + 1)
            inter = w * h
            union = areas[:, None] + areas[None, :] - inter
            return inter, union

        sub_inter, sub_union = _inter_union(sb, sub_areas)
        obj_inter, obj_union = _inter_union(ob, obj_areas)
        ovr = sub_inter / sub_union * obj_inter / obj_union
        suppress = (lbl[:, None] == lbl[None, :]) & (ovr > NMS_THRESH)
        idx = jnp.arange(n)

        def body(i, keep):
            sup = jnp.any(keep & suppress[:, i] & (idx < i))
            return keep.at[i].set(~sup)

        keep_sorted = jax.lax.fori_loop(0, n, body, jnp.zeros((n,), bool))
        return jnp.zeros((n,), jnp.float32).at[order].set(keep_sorted.astype(jnp.float32))

    keep_mask = jax.vmap(_nms_one)(sub_boxes, obj_boxes, hoi_scores, obj_labels)
    labels = jnp.concatenate([jnp.full_like(obj_labels, SUBJECT_CATEGORY_ID), obj_labels], axis=1)
    boxes = jnp.concatenate([sub_boxes, obj_boxes], axis=1)
    return hoi_scores, labels, boxes, keep_mask

# --- scband reference (transcript-rebuilt; emitter-appended) ---
"""Pipeline reference for scband-post-process-hoi-31842887533360 (READ-ONLY COPY).

The authoritative reference and input builder live on the scoring server;
editing this copy changes nothing except your own understanding.
"""

import jax, jax.numpy as jnp
import numpy as np

NMS_THRESH = 0.5
SUBJECT_CATEGORY_ID = 0


def box_cxcywh_to_xyxy(b):
    cx, cy, w, h = b[..., 0], b[..., 1], b[..., 2], b[..., 3]
    return jnp.stack([cx - 0.5 * w, cy - 0.5 * h, cx + 0.5 * w, cy + 0.5 * h], axis=-1)


def _pairwise_nms(subs, objs, scores, thresh=NMS_THRESH):
    sx1, sy1, sx2, sy2 = subs[:, 0], subs[:, 1], subs[:, 2], subs[:, 3]
    ox1, oy1, ox2, oy2 = objs[:, 0], objs[:, 1], objs[:, 2], objs[:, 3]
    sub_areas = (sx2 - sx1 + 1) * (sy2 - sy1 + 1)
    obj_areas = (ox2 - ox1 + 1) * (oy2 - oy1 + 1)
    max_scores = np.max(scores, axis=1)
    order = max_scores.argsort()[::-1]
    keep = []
    while order.size > 0:
        i = order[0]
        keep.append(int(i))
        sxx1 = np.maximum(sx1[i], sx1[order[1:]])
        syy1 = np.maximum(sy1[i], sy1[order[1:]])
        sxx2 = np.minimum(sx2[i], sx2[order[1:]])
        syy2 = np.minimum(sy2[i], sy2[order[1:]])
        sw = np.maximum(0.0, sxx2 - sxx1 + 1)
        sh = np.maximum(0.0, syy2 - syy1 + 1)
        sub_inter = sw * sh
        sub_union = sub_areas[i] + sub_areas[order[1:]] - sub_inter
        oxx1 = np.maximum(ox1[i], ox1[order[1:]])
        oyy1 = np.maximum(oy1[i], oy1[order[1:]])
        oxx2 = np.minimum(ox2[i], ox2[order[1:]])
        oyy2 = np.minimum(oy2[i], oy2[order[1:]])
        ow = np.maximum(0.0, oxx2 - oxx1 + 1)
        oh = np.maximum(0.0, oyy2 - oyy1 + 1)
        obj_inter = ow * oh
        obj_union = obj_areas[i] + obj_areas[order[1:]] - obj_inter
        ovr = sub_inter / sub_union * obj_inter / obj_union
        inds = np.where(ovr <= thresh)[0]
        order = order[inds + 1]
    return keep


def _nms_keep_mask(sub_boxes, obj_boxes, hoi_scores, obj_labels, thresh=NMS_THRESH):
    n = obj_labels.shape[0]
    max_scores = jnp.max(hoi_scores, axis=1)
    order = jnp.argsort(max_scores)[::-1]
    sb = sub_boxes[order]
    ob = obj_boxes[order]
    lbl = obj_labels[order]
    sub_areas = (sb[:, 2] - sb[:, 0] + 1) * (sb[:, 3] - sb[:, 1] + 1)
    obj_areas = (ob[:, 2] - ob[:, 0] + 1) * (ob[:, 3] - ob[:, 1] + 1)

    def _inter_union(bx, areas):
        xx1 = jnp.maximum(bx[:, None, 0], bx[None, :, 0])
        yy1 = jnp.maximum(bx[:, None, 1], bx[None, :, 1])
        xx2 = jnp.minimum(bx[:, None, 2], bx[None, :, 2])
        yy2 = jnp.minimum(bx[:, None, 3], bx[None, :, 3])
        w = jnp.maximum(0.0, xx2 - xx1 + 1)
        h = jnp.maximum(0.0, yy2 - yy1 + 1)
        inter = w * h
        union = areas[:, None] + areas[None, :] - inter
        return inter, union

    sub_inter, sub_union = _inter_union(sb, sub_areas)
    obj_inter, obj_union = _inter_union(ob, obj_areas)
    ovr = sub_inter / sub_union * obj_inter / obj_union
    suppress = (lbl[:, None] == lbl[None, :]) & (ovr > thresh)
    idx = jnp.arange(n)

    def body(i, keep):
        sup = jnp.any(keep & suppress[:, i] & (idx < i))
        return keep.at[i].set(~sup)

    keep_sorted = jax.lax.fori_loop(0, n, body, jnp.zeros((n,), bool))
    return jnp.zeros((n,), jnp.float32).at[order].set(keep_sorted.astype(jnp.float32))


def setup_inputs(seed: int = 0):
    key = jax.random.key(seed)
    ks = jax.random.split(key, 5)
    B, Q, C, V = 32, 300, 81, 117
    return {
        'pred_obj_logits': jax.random.normal(ks[0], (B, Q, C), jnp.float32),
        'pred_verb_logits': jax.random.normal(ks[1], (B, Q, V), jnp.float32),
        'pred_sub_boxes': jax.random.uniform(ks[2], (B, Q, 4), jnp.float32),
        'pred_obj_boxes': jax.random.uniform(ks[3], (B, Q, 4), jnp.float32),
        'target_sizes': jax.random.randint(ks[4], (B, 2), 480, 1333).astype(jnp.int32),
        'correct_mat': jnp.ones((V, C - 1), jnp.float32),
    }


def reference(pred_obj_logits, pred_verb_logits, pred_sub_boxes, pred_obj_boxes, target_sizes, correct_mat):
    # buffer prep (done in __init__ in torch): append a ones column -> [V, C]
    cm = jnp.concatenate([correct_mat, jnp.ones((correct_mat.shape[0], 1), correct_mat.dtype)], axis=1)
    obj_prob = jax.nn.softmax(pred_obj_logits, axis=-1)
    verb_scores = jax.nn.sigmoid(pred_verb_logits)
    B = obj_prob.shape[0]
    C = obj_prob.shape[-1]
    obj_scores, topk_idx = jax.lax.top_k(obj_prob.reshape(B, -1), 100)
    topk_boxes = topk_idx // C
    obj_labels = topk_idx % C
    vs = jnp.take_along_axis(verb_scores, topk_boxes[:, :, None], axis=1)
    sub_b = jnp.take_along_axis(pred_sub_boxes, topk_boxes[:, :, None], axis=1)
    obj_b = jnp.take_along_axis(pred_obj_boxes, topk_boxes[:, :, None], axis=1)
    img_h = target_sizes[:, 0].astype(jnp.float32)
    img_w = target_sizes[:, 1].astype(jnp.float32)
    scale = jnp.stack([img_w, img_h, img_w, img_h], axis=1)
    sub_boxes = box_cxcywh_to_xyxy(sub_b) * scale[:, None, :]
    obj_boxes = box_cxcywh_to_xyxy(obj_b) * scale[:, None, :]
    hoi_scores = vs * obj_scores[:, :, None]
    masks = cm.T[obj_labels]
    hoi_scores = hoi_scores * masks
    # triplet NMS: triplet key collapses to the object label (subject cat and verb-label
    # array are identical for all detections), run per-image per-object-label pairwise NMS
    keep_mask = jax.vmap(_nms_keep_mask)(sub_boxes, obj_boxes, hoi_scores, obj_labels)
    labels = jnp.concatenate([jnp.full_like(obj_labels, SUBJECT_CATEGORY_ID), obj_labels], axis=1)
    boxes = jnp.concatenate([sub_boxes, obj_boxes], axis=1)
    return hoi_scores, labels, boxes, keep_mask

if __name__ == "__main__":
    import jax
    _d = setup_inputs()
    print(jax.jit(kernel)(*tuple(_d.values())))

</pallas_src>

<mosaic_0001>
module attributes {stable_mosaic.version = 14 : i64} {
  func.func @_dense_body(%arg0: memref<32x300x81xf32, #tpu.memory_space<vmem>>, %arg1: memref<32x300x117xf32, #tpu.memory_space<vmem>>, %arg2: memref<32x300x81xf32, #tpu.memory_space<vmem>>, %arg3: memref<32x300x117xf32, #tpu.memory_space<vmem>>) attributes {dimension_semantics = [], scalar_prefetch = 0 : i64, scratch_operands = 0 : i64, tpu.core_type = #tpu.core_type<tc>} {
    %get3A = arith.constant 0 : index
    %get3A_0 = arith.constant 0 : index
    %get3A_1 = arith.constant 0 : index
    %get3A_2 = vector.load %arg0[%get3A, %get3A_0, %get3A_1] : memref<32x300x81xf32, #tpu.memory_space<vmem>>, vector<32x300x81xf32>
    %reduce_max3A = arith.constant dense<0xFF800000> : vector<32x300xf32>
    %reduce_max3A_3 = vector.multi_reduction <maximumf>, %get3A_2, %reduce_max3A [2] : vector<32x300x81xf32> to vector<32x300xf32>
    %broadcast_in_dim3A = vector.shape_cast %reduce_max3A_3 : vector<32x300xf32> to vector<32x300x1xf32>
    %sub3A = vector.broadcast %broadcast_in_dim3A : vector<32x300x1xf32> to vector<32x300x81xf32>
    %sub3A_4 = arith.subf %get3A_2, %sub3A : vector<32x300x81xf32>
    %exp3A = math.exp %sub3A_4 : vector<32x300x81xf32>
    %reduce_sum3A = arith.constant dense<0.000000e+00> : vector<32x300xf32>
    %reduce_sum3A_5 = vector.multi_reduction <add>, %exp3A, %reduce_sum3A [2] : vector<32x300x81xf32> to vector<32x300xf32>
    %broadcast_in_dim3A_6 = vector.shape_cast %reduce_sum3A_5 : vector<32x300xf32> to vector<32x300x1xf32>
    %div3A = vector.broadcast %broadcast_in_dim3A_6 : vector<32x300x1xf32> to vector<32x300x81xf32>
    %div3A_7 = arith.divf %exp3A, %div3A : vector<32x300x81xf32>
    %swap3A = arith.constant 0 : index
    %swap3A_8 = arith.constant 0 : index
    %swap3A_9 = arith.constant 0 : index
    %swap3A_10 = vector.load %arg2[%swap3A, %swap3A_8, %swap3A_9] : memref<32x300x81xf32, #tpu.memory_space<vmem>>, vector<32x300x81xf32>
    tpu.vector_store %arg2[%swap3A, %swap3A_8, %swap3A_9], %div3A_7 {strides = array<i32>} : memref<32x300x81xf32, #tpu.memory_space<vmem>>, vector<32x300x81xf32>,
    %get3A_11 = arith.constant 0 : index
    %get3A_12 = arith.constant 0 : index
    %get3A_13 = arith.constant 0 : index
    %get3A_14 = vector.load %arg1[%get3A_11, %get3A_12, %get3A_13] : memref<32x300x117xf32, #tpu.memory_space<vmem>>, vector<32x300x117xf32>
    %neg3A = arith.constant 0.000000e+00 : f32
    %neg3A_15 = vector.broadcast %neg3A : f32 to vector<32x300x117xf32>
    %neg3A_16 = arith.subf %neg3A_15, %get3A_14 : vector<32x300x117xf32>
    %exp3A_17 = math.exp %neg3A_16 : vector<32x300x117xf32>
    %add3A = arith.constant 1.000000e+00 : f32
    %add3A_18 = vector.broadcast %add3A : f32 to vector<32x300x117xf32>
    %add3A_19 = arith.addf %add3A_18, %exp3A_17 : vector<32x300x117xf32>
    %div3A_20 = arith.constant 1.000000e+00 : f32
    %div3A_21 = vector.broadcast %div3A_20 : f32 to vector<32x300x117xf32>
    %div3A_22 = arith.divf %div3A_21, %add3A_19 : vector<32x300x117xf32>
    %swap3A_23 = arith.constant 0 : index
    %swap3A_24 = arith.constant 0 : index
    %swap3A_25 = arith.constant 0 : index
    %swap3A_26 = vector.load %arg3[%swap3A_23, %swap3A_24, %swap3A_25] : memref<32x300x117xf32, #tpu.memory_space<vmem>>, vector<32x300x117xf32>
    tpu.vector_store %arg3[%swap3A_23, %swap3A_24, %swap3A_25], %div3A_22 {strides = array<i32>} : memref<32x300x117xf32, #tpu.memory_space<vmem>>, vector<32x300x117xf32>,
    return
  }
}

</mosaic_0001>

<sc_bundles>
// kernel: gather_offload_async_start.1
scs
__scs_entry_jumppad:
0x0: {  	(pc) =	sbr.rel $0x88, $3  }
0x1: {  	(tag) =	ssettag $0x0;
	lr =	simm.s32 $0x1  }
0x2: {  	[smem:$0x3F9B] =	sst lr;
	_ =	strace $0xD0000000  }
0x3: {  	_ = 	snop  }
0x4: {  	_ = 	snop  }
0x5: {  	_ = 	snop  }
0x6: {  	_ = 	snop  }
0x7: {  	_ = 	snop  }
__scs_overlays_trampoline_lowered:
0x8: {  	[smem:$0x3FAA] =	sst s0  }
0x9: {  	[smem:$0x3FAB] =	sst s1  }
0xa: {  	[smem:$0x3FAC] =	sst s2  }
0xb: {  	[smem:$0x3FAD] =	sst s3  }
0xc: {  	[smem:$0x3FAE] =	sst s4  }
0xd: {  	[smem:$0x3FAF] =	sst s5  }
0xe: {  	[smem:$0x3FB0] =	sst s6  }
0xf: {  	[smem:$0x3FB1] =	sst s7  }
0x10: {  	[smem:$0x3FB2] =	sst s8  }
0x11: {  	[smem:$0x3FB3] =	sst s9;
	s0 =	simm.s32 @!p0 $0x0  }
0x12: {  	s1 =	sld [smem:$0x3F99];
	s0 =	simm.s32 @p0 $0x1  }
0x13: {  	[smem:$0x3FB4] =	sst s0;
	s0 =	simm.s32 @!p1 $0x0  }
0x14: {  	s2 =	sld [smem:$0x3F98];
	s0 =	simm.s32 @p1 $0x1  }
0x15: {  	[smem:$0x3FB5] =	sst s0;
	s0 =	simm.s32 @!p2 $0x0  }
0x16: {  	s3 =	sld [smem:$0x3FDB];
	s0 =	simm.s32 @p2 $0x1  }
0x17: {  	s4 =	simm.s32 $0x1BF5;
	[smem:$0x3FB7] =	sst s0  }
0x18: {  	s0 =	sld [smem:$0x3F9A];
	_ =	swait.ge [sflag:s4], $0x0  }
0x19: {  	s7 =	sld [smem:$0x3F9B]  }
0x1a: {  	s8 =	sadd.s32 $0xFFFFE003, lr  }
0x1b: {  	s9 =	sadd.s32 $0xFFFFFEF7, lr;
	s5 =	simm.s32 $0xFFFFFFFF;
	p2 =	slt.u32 s8, $0xFFFFF086  }
0x1c: {  	p1 =	slt.u32 s9, $0xF7A;
	s5 =	simm.s32 @!p2 $0x0  }
0x1d: {  	s5 =	simm.s32 @p1 $0x1;
	p0 =	seq.s32 s7, s2  }
0x1e: {  	s7 =	smul.u32 @!p0 $0xF7A, s2;
	p2 =	seq.s32 @!p0 s5, $0x0  }
0x1f: {  	s9 =	smul.u32 $0xF7A, s1;
	s8 =	simm.s32 @!p0 $0x1BF5;
	p2 =	por !p2, p0  }
0x20: {  	[sflag:s8] =	ssyncset.s32 @!p0 $0xFFFFF086;
	s6 =	sadd.s32 @!p0 s3, s7;
	s7 =	simm.s32 @!p0 $0x108  }
0x21: {  	s3 =	sadd.s32 s3, s9;
	s6 =	sadd.s32 @!p0 $0x88, s6;
	s7 =	simm.s32 @p2 $0x1082  }
0x22: {  	[simem:s7], [sflag:s8] =	dma.local @!p0 [hbm:s6], $0xF7A  }
0x23: {  	s9 =	sor.u32 $0xD0000000, s2;
	s6 =	simm.s32 $0x108;
	_ =	swait.ge @!p0 [sflag:s8], $0x0  }
0x24: {  	s3 =	sadd.s32 $0x88, s3;
	s6 =	simm.s32 @!p1 $0x1082;
	[sflag:s4] =	ssyncset.s32 $0xFFFFF086  }
0x25: {  	[simem:s6], [sflag:s4] =	dma.local [hbm:s3], $0xF7A  }
0x26: {  	[smem:$0x3F9B] =	sst s1;
	(tag) =	ssettag s2;
	_ =	strace s9  }
0x27: {  	s1 =	sld [smem:$0x3FAB]  }
0x28: {  	s2 =	sld [smem:$0x3FAC]  }
0x29: {  	s4 =	sld [smem:$0x3FAE]  }
0x2a: {  	p0 =	seq.s32 s5, $0x0;
	s5 =	sld [smem:$0x3FAF]  }
0x2b: {  	s6 =	sld [smem:$0x3FB0]  }
0x2c: {  	s7 =	sld [smem:$0x3FB1]  }
0x2d: {  	s3 =	simm.s32 $0x108;
	s8 =	sld [smem:$0x3FB2]  }
0x2e: {  	s3 =	simm.s32 @!p0 $0x1082;
	s9 =	sld [smem:$0x3FB3]  }
0x2f: {  	lr =	sadd.s32 s0, s3;
	s0 =	sld [smem:$0x3FAA]  }
0x30: {  	s3 =	sld [smem:$0x3FAD]  }
0x31: {  	[smem:$0x3FB6] =	sst s10  }
0x32: {  	s10 =	sld [smem:$0x3FB4];
	_ =	sdelay $0x3  }
0x33: {  	p0 =	seq.s32 s10, $0x1;
	s10 =	sld [smem:$0x3FB6];
	_ =	sdelay $0x3  }
0x34: {  	[smem:$0x3FB6] =	sst s10  }
0x35: {  	s10 =	sld [smem:$0x3FB5];
	_ =	sdelay $0x3  }
0x36: {  	p1 =	seq.s32 s10, $0x1;
	s10 =	sld [smem:$0x3FB6];
	_ =	sdelay $0x3  }
0x37: {  	[smem:$0x3FB6] =	sst s10  }
0x38: {  	s10 =	sld [smem:$0x3FB7]  }
0x39: {  	_ = 	snop;
	(pc) =	sbr.ind lr, $3  }
0x3a: {  	_ = 	snop  }
0x3b: {  	_ = 	snop  }
0x3c: {  	p2 =	seq.s32 s10, $0x1;
	s10 =	sld [smem:$0x3FB6]  }
0x3d: {  	_ =	shalt  }
0x3e: {  	_ =	shalt  }
0x3f: {  	_ =	shalt  }
0x40: {  	_ =	shalt  }
0x41: {  	_ =	shalt  }
0x42: {  	_ =	shalt  }
0x43: {  	_ =	shalt  }
0x44: {  	_ =	shalt  }
0x45: {  	_ =	shalt  }
0x46: {  	_ =	shalt  }
0x47: {  	_ =	shalt  }
0x48: {  	_ =	shalt  }
0x49: {  	_ =	shalt  }
0x4a: {  	_ =	shalt  }
0x4b: {  	_ =	shalt  }
0x4c: {  	_ =	shalt  }
0x4d: {  	_ =	shalt  }
0x4e: {  	_ =	shalt  }
0x4f: {  	_ =	shalt  }
0x50: {  	_ =	shalt  }
0x51: {  	_ =	shalt  }
0x52: {  	_ =	shalt  }
0x53: {  	_ =	shalt  }
0x54: {  	_ =	shalt  }
0x55: {  	_ =	shalt  }
0x56: {  	_ =	shalt  }
0x57: {  	_ =	shalt  }
0x58: {  	_ =	shalt  }
0x59: {  	_ =	shalt  }
0x5a: {  	_ =	shalt  }
0x5b: {  	_ =	shalt  }
0x5c: {  	_ =	shalt  }
0x5d: {  	_ =	shalt  }
0x5e: {  	_ =	shalt  }
0x5f: {  	_ =	shalt  }
0x60: {  	_ =	shalt  }
0x61: {  	_ =	shalt  }
0x62: {  	_ =	shalt  }
0x63: {  	_ =	shalt  }
0x64: {  	_ =	shalt  }
0x65: {  	_ =	shalt  }
0x66: {  	_ =	shalt  }
0x67: {  	_ =	shalt  }
0x68: {  	_ =	shalt  }
0x69: {  	_ =	shalt  }
0x6a: {  	_ =	shalt  }
0x6b: {  	_ =	shalt  }
0x6c: {  	_ =	shalt  }
0x6d: {  	_ =	shalt  }
0x6e: {  	_ =	shalt  }
0x6f: {  	_ =	shalt  }
0x70: {  	_ =	shalt  }
0x71: {  	_ =	shalt  }
0x72: {  	_ =	shalt  }
0x73: {  	_ =	shalt  }
0x74: {  	_ =	shalt  }
0x75: {  	_ =	shalt  }
0x76: {  	_ =	shalt  }
0x77: {  	_ =	shalt  }
0x78: {  	_ =	shalt  }
0x79: {  	_ =	shalt  }
0x7a: {  	_ =	shalt  }
0x7b: {  	_ =	shalt  }
0x7c: {  	_ =	shalt  }
0x7d: {  	_ =	shalt  }
0x7e: {  	_ =	shalt  }
0x7f: {  	_ =	shalt  }
0x80: {  	_ =	shalt  }
0x81: {  	_ =	shalt  }
0x82: {  	_ =	shalt  }
0x83: {  	_ =	shalt  }
0x84: {  	_ =	shalt  }
0x85: {  	_ =	shalt  }
0x86: {  	_ =	shalt  }
0x87: {  	_ =	shalt  }
.Lfunc_end0:
.L_simem_size_0:
called_computation.1_lowered:
.L_overlay_start_0:
0x88: {  	s2 =	sld [smem:$0x3FD9]  }
0x89: {  	s3 =	sld [smem:$0x3FFE];
	_ =	sdelay $0x1  }
0x8a: {  	s1 =	srdreg.scid  }
0x8b: {  	s0 =	sand.u32 $0x1, s1  }
0x8c: {  	s14 =	sshll.u32 s0, $0xA;
	s2 =	sadd.s32 s3, s2  }
0x8d: {  	s2 =	sadd.s32 s2, s14  }
0x8e: {  	[smem:$0x3FC2] =	sst s2  }
0x8f: {  	_ = 	snop  }
0x90: {  	s2 =	sld [smem:$0x3FD0];
	_ =	sdelay $0x2  }
0x91: {  	s15 =	simm.s32 $0xB;
	s4 =	simm.s32 $0x10  }
0x92: {  	[smem:s4], [sflag:s15] =	dma.local [hbm:s2], $0x1  }
0x93: {  	_ =	swait.eq [sflag:s15], $0x1  }
0x94: {  	[sflag:s15] =	ssyncset.done $0x0  }
0x95: {  	[sflag:s15] =	ssyncadd.s32 $0xFFFFFFFF  }
0x96: {  	s16 =	sld [smem:$0x13];
	(tm) =	ssettm $0x1  }
0x97: {  	s17 =	sld [smem:$0x3FFB];
	_ =	sdelay $0x3  }
0x98: {  	_ =	strace s17  }
0x99: {  	s3 =	sld [smem:$0x3FFC];
	_ =	sdelay $0x3  }
0x9a: {  	_ =	strace s3  }
0x9b: {  	s3 =	sld [smem:$0x3FFD];
	_ =	sdelay $0x3  }
0x9c: {  	_ =	strace s3  }
0x9d: {  	_ =	strace $0x8FFFFFFF  }
0x9e: {  	s18 =	sld [smem:$0x3FDB];
	_ =	sdelay $0x1  }
0x9f: {  	s19 =	simm.s32 $_scs_section_size  }
0xa0: {  	s5 =	simm.s32 $_size__tile_overlayer_lowered;
	s6 =	simm.s32 $_tile_overlayer_lowered  }
0xa1: {  	s22 =	simm.s32 $0x1BFF;
	s21 =	sshll.u32 s6, $0x1;
	s3 =	sadd.s32 s19, s18  }
0xa2: {  	s7 =	simm.s32 $0x0;
	s20 =	sshll.u32 s5, $0x1;
	s5 =	sadd.s32 s21, s3  }
0xa3: {  	[timem:s7], [sflag:s22] =	dma.local [hbm:s5], s20  }
0xa4: {  	_ =	swait.ge [sflag:s22], s20  }
0xa5: {  	s4 =	ssub.s32 $0x0, s20;
	[sflag:s22] =	ssyncset.done $0x0  }
0xa6: {  	[sflag:s22] =	ssyncadd.s32 s4;
	_ =	sdelay $0x1  }
0xa7: {  	s23 =	simm.s32 $0x1B8B  }
0xa8: {  	_ =	swait.ge [sflag:s23], $0x1  }
0xa9: {  	[sflag:s23] =	ssyncset.done $0x0  }
0xaa: {  	s25 =	simm.s32 $0x1B8E;
	s24 =	sld [smem:$0x3FFE];
	[sflag:s23] =	ssyncadd.s32 $0xFFFFFFFF  }
0xab: {  	s26 =	simm.s32 $execute0_lowered;
	[smem:$0x3FD2] =	sst s25  }
0xac: {  	s5 =	sshll.u32 s26, $0x1;
	_ =	strace $0x8000004F;
	[dreg:$0x1] =	wrdreg $0xFFFFFFFF  }
0xad: {  	s28 =	simm.s32 $_size_execute0_lowered;
	s3 =	sadd.s32 s3, s5;
	[dreg:$0x0] =	wrdreg $0x0  }
0xae: {  	s5 =	sshll.u32 s28, $0x1;
	[dreg:$0x2] =	wrdreg s3  }
0xaf: {  	[dreg:$0x3] =	wrdreg s5  }
0xb0: {  	[dreg:$0x4] =	wrdreg $0xC0  }
0xb1: {  	_ =	task [dreg:s7], $0x5FFFF  }
0xb2: {  	[dreg:$0x1] =	wrdreg $0xFFFFFFFF  }
0xb3: {  	[dreg:$0x0] =	wrdreg $0x60  }
0xb4: {  	[dreg:$0x2] =	wrdreg s24  }
0xb5: {  	[dreg:$0x3] =	wrdreg s16  }
0xb6: {  	[dreg:$0x4] =	wrdreg $0x9  }
0xb7: {  	_ =	task.clear_ibuf [dreg:s7], $0x5FFFF;
	_ =	strace $0x9000004F  }
0xb8: {  	s29 =	simm.s32 $0x9;
	_ =	strace $0x80000051  }
0xb9: {  	_ =	swait.ge [sflag:s29], $0x1  }
0xba: {  	[sflag:s29] =	ssyncadd.s32 $0xFFFFFFFF  }
0xbb: {  	_ =	strace $0x90000051  }
0xbc: {  	_ =	sfence  }
0xbd: {  	s30 =	sld [smem:$0x0];
	_ =	sdelay $0x2  }
0xbe: {  	s31 =	sshll.u32 s1, $0xD;
	s1 =	sshrl.u32 s1, $0x2  }
0xbf: {  	s3 =	sand.u32 $0x4000, s31;
	s1 =	sadd.s32 s1, s30  }
0xc0: {  	s0 =	sor.u32 s3, s0;
	s1 =	sshll.u32 s1, $0x11  }
0xc1: {  	s0 =	sor.u32 s1, s0  }
0xc2: {  	s0 =	sadd.s32 $0x8F2B, s0  }
0xc3: {  	[sflag:s0] =	ssyncadd.remote.s32 $0x1  }
0xc4: {  	_ =	sfence.sel $0xFFFF  }
0xc5: {  	[dreg:$0x0] =	wrdreg $0xFFFFFFFF;
	(pc) =	sbr.abs _section_cstart, $3  }
0xc6: {  	[dreg:$0x1] =	wrdreg $0xFFFFFFFF  }
0xc7: {  	_ =	task.clear_ibuf [dreg:s7], $0x2FFFF;
	_ =	strace $0x9FFFFFFF  }
0xc8: {  	(tm) =	ssettm $0x7FFFFFFF  }
0xc9: {  	_ =	shalt  }
tec
execute0_lowered:
.L_overlay_start_1:
0x0: {  	(tag) =	ssettag $0x1  }
0x1: {  	s2 =	rddreg [dreg:$0x0]  }
0x2: {  	s0 =	stileid.u32;
	s1 =	srdreg.scid  }
0x3: {  	s3 =	rddreg [dreg:$0x1];
	s8 =	simm.s32 $0x1;
	s9 =	simm.s32 $0x3  }
0x4: {  	s10 =	simm.s32 $0x0;
	s4 =	sand.u32 $0x1, s1;
	s5 =	sshll.u32 s0, $0x1  }
0x5: {  	s13 =	simm.s32 $0x0;
	s12 =	simm.s32 $0x0;
	s6 =	sor.u32 s5, s4  }
0x6: {  	s1 =	rddreg [dreg:$0x2];
	_ =	strace $0x80000050;
	s4 =	smul.u32 $0x50, s6  }
0x7: {  	s5 =	simm.s32 $0x1;
	p0 =	slt.u32 s6, $0x9;
	s6 =	simm.s32 $0xA00  }
.Ltmp0:
0x8: {  	s6 =	simm.s32 @!p0 $0x0;
	s7 =	ssub.s32 $0xC80, s4;
	(pc) =	sbr.rel .LBB2_1-.Ltmp0, $4  }
0x9: {  	s8 =	simm.s32 @!p0 $0x0;
	p0 =	sne.s32 s7, s6;
	s7 =	simm.s32 $0x1  }
0xa: {  	[sflag:s5] =	ssyncpa.u1 $0x0;
	s6 =	simm.s32 $0x2;
	s7 =	simm.s32 @!p0 $0x0  }
0xb: {  	s11 =	smov.u32 s4;
	[sflag:s6] =	ssyncpa.u1 $0x0;
	s7 =	sadd.s32 s8, s7  }
0xc: {  	vm0 =	vmmov $0xffff;
	s8 =	sadd.s32 $0x19200, s2;
	[sflag:s9] =	ssyncpa.u1 $0x0;
	s9 =	sadd.s32 $0x1, s7  }
.LBB2_4:
0xd: {  	v5 =	vshrl.u32 v1, $0x5;
	v6 =	vshll.u32 v1, $0x7  }
0xe: {  	vm1 =	veq.s32 v1, $0x80000000;
	v58 =	vand.u32 $0x7F, v5;
	v59 =	vand.u32 $0xF80, v6  }
0xf: {  	v1 =	vsel vm1, $0xFFFFFFFF, v58;
	v5 =	vsel vm1, $0xFFFFFF80, v59  }
0x10: {  	v3 =	vor.u32 v4, v3;
	v60 =	vand.u32 $0xFFFFFC00, v5;
	v61 =	vand.u32 $0xFFFFFC00, v1  }
0x11: {  	v2 =	vor.u32 v2, v3;
	v63 =	vand.u32 $0x380, v5;
	v62 =	vadd.s32 v61, v60  }
0x12: {  	v1 =	vand.u32 $0x7F, v1;
	v3 =	vor.u32 v63, v62  }
0x13: {  	v1 =	vor.u32 v1, v3  }
0x14: {  	[tilespmem:s17], [sflag:$0x1] =	stream.indirect_vreg.gather [hbm4b:s2+s10], $0x1, v0, vm0, $0x4038;
	[tilespmem:$0x140] =	vst v63  }
0x15: {  	(ifvalue) =	ssetifvalue $0x7FFFFFFF  }
0x16: {  	[tilespmem:s15], [sflag:$0x1] =	stream.indirect_vreg.gather [hbm4b:s2+s10], $0x1, v2, vm0, $0x4038;
	[tilespmem:$0x140] =	vst v63  }
0x17: {  	s29 =	sadd.s32 $0x10, s15;
	(ifvalue) =	ssetifvalue $0x7FFFFFFF  }
0x18: {  	[tilespmem:s29], [sflag:$0x1] =	stream.indirect_vreg.gather [hbm4b:s2+s10], $0x1, v1, vm0, $0x4038;
	[tilespmem:$0x140] =	vst v63  }
0x19: {  	_ =	swait.ge [sflag:s5], $0x50  }
0x1a: {  	s30 =	sshrl.u32 s13, $0x3;
	[sflag:s5] =	ssyncset.done $0x0  }
0x1b: {  	s31 =	sand.u32 $0x7, s13;
	s15 =	sadd.s32 s8, s30;
	[sflag:s5] =	ssyncadd.s32 $0xFFFFFFB0  }
0x1c: {  	[hbm4b:s15+s31] =	stream.linear.scatter [tilespmem:s14], [sflag:$0x3], $0x50, $0x38;
	[tilespmem:$0x140] =	vst v63  }
.LBB2_5:
0x1d: {  	s15 =	sadd.s32 $0xA00, s11  }
0x1e: {  	p1 =	sgt.s32 s15, $0xC7F  }
0x1f: {  	s15 =	smov.u32 @p1 s4;
	p1 =	sne.s32 s12, s9  }
.Ltmp1:
0x20: {  	p0 =	slt.u32 s12, $0x2;
	(pc) =	sbr.rel @!p1 .LBB2_6-.Ltmp1, $4  }
0x21: {  	s14 =	simm.s32 @!p0 $0x3  }
0x22: {  	_ =	swait.ge @!p0 [sflag:s14], $0x50  }
0x23: {  	s16 =	sadd.s32 $0x1, s12;
	s13 =	smov.u32 s11;
	[sflag:s14] =	ssyncset.done @!p0 $0x0  }
0x24: {  	s12 =	smov.u32 s16;
	s11 =	smov.u32 s15;
	[sflag:s14] =	ssyncadd.s32 @!p0 $0xFFFFFFB0  }
.LBB2_1:
0x25: {  	p0 =	sge.u32 s12, s7  }
0x26: {  	s14 =	sxor.u32 @!p0 $0x1, s12  }
0x27: {  	s14 =	smul.u32 @!p0 $0x140, s14  }
0x28: {  	s31 =	sadd.s32 $0xFFFFFFFF, s12;
	s15 =	sshrl.u32 @!p0 s11, $0x3  }
0x29: {  	s16 =	sand.u32 @!p0 $0x7, s11;
	s15 =	sadd.s32 @!p0 s3, s15;
	s14 =	sshra.s32 @!p0 s14, $0x2  }
0x2a: {  	[tilespmem:s14], [sflag:$0x2] =	stream.linear.gather @!p0 [hbm4b:s15+s16], $0x50, $0x38;
	[tilespmem:$0x140] =	vst v63  }
0x2b: {  	p0 =	sge.u32 s31, s7  }
.Ltmp2:
0x2c: {  	_ = 	snop;
	(pc) =	sbr.rel @p0 .LBB2_5-.Ltmp2, $1  }
0x2d: {  	_ =	sdelay $0x3  }
0x2e: {  	s14 =	sand.u32 $0x1, s12  }
0x2f: {  	_ =	swait.ge [sflag:s6], $0x50;
	p0 =	seq.s32 s14, $0x1;
	s14 =	simm.s32 $0x50  }
0x30: {  	[sflag:s6] =	ssyncset.done $0x0;
	s14 =	simm.s32 @!p0 $0x0  }
0x31: {  	[sflag:s6] =	ssyncadd.s32 $0xFFFFFFB0;
	(ifvalue) =	ssetifvalue $0x7FFFFFFF;
	v0 =	vld.msk [tilespmem:s14+$0x0 ss:$0x1], $0xffff;
	_ =	sdelay $0x4  }
0x32: {  	s15 =	sadd.s32 $0x10, s14;
	v2 =	vshrl.u32 v0, $0x5;
	v3 =	vshll.u32 v0, $0x7  }
0x33: {  	v1 =	vld.msk [tilespmem:s15+$0x0 ss:$0x1], $0xffff;
	vm1 =	veq.s32 v0, $0x80000000;
	v0 =	vand.u32 $0x7F, v2;
	v2 =	vand.u32 $0xF80, v3  }
0x34: {  	v0 =	vsel vm1, $0xFFFFFFFF, v0;
	v2 =	vsel vm1, $0xFFFFFF80, v2  }
0x35: {  	v3 =	vand.u32 $0xFFFFFC00, v2;
	v4 =	vand.u32 $0xFFFFFC00, v0  }
0x36: {  	v2 =	vand.u32 $0x380, v2;
	v3 =	vadd.s32 v4, v3  }
0x37: {  	v0 =	vand.u32 $0x7F, v0;
	v2 =	vor.u32 v2, v3  }
0x38: {  	v5 =	vshll.u32 v1, $0x7;
	v4 =	vshrl.u32 v1, $0x5;
	v0 =	vor.u32 v0, v2  }
0x39: {  	vm1 =	veq.s32 v1, $0x80000000;
	v1 =	vand.u32 $0x7F, v4;
	v4 =	vand.u32 $0xF80, v5  }
0x3a: {  	s14 =	sor.u32 $0xA0, s14;
	s15 =	sadd.s32 $0x10, s15;
	v3 =	vsel vm1, $0xFFFFFFFF, v1;
	v4 =	vsel vm1, $0xFFFFFF80, v4  }
0x3b: {  	s16 =	simm.s32 $0x20;
	s17 =	smov.u32 s14;
	v1 =	vld.msk [tilespmem:s15+$0x0 ss:$0x1], $0xffff;
	v5 =	vand.u32 $0xFFFFFC00, v4;
	v6 =	vand.u32 $0xFFFFFC00, v3  }
0x3c: {  	s18 =	sadd.s32 $0x10, s15;
	(ifvalue) =	ssetifvalue $0x7FFFFFFF;
	s15 =	sadd.s32 $0x10, s14;
	v2 =	vand.u32 $0x7F, v3;
	v4 =	vand.u32 $0x380, v4;
	v3 =	vadd.s32 v6, v5  }
.LBB2_3:
0x3d: {  	[tilespmem:s17], [sflag:$0x1] =	stream.indirect_vreg.gather [hbm4b:s2+s10], $0x1, v0, vm0, $0x4038;
	[tilespmem:$0x140] =	vst v63  }
0x3e: {  	s16 =	sadd.s32 $0x10, s16  }
0x3f: {  	v3 =	vor.u32 v4, v3;
	p0 =	slt.u32 s16, $0x40  }
.Ltmp3:
0x40: {  	v4 =	vshrl.u32 v1, $0x5;
	v5 =	vshll.u32 v1, $0x7;
	s17 =	smov.u32 s15;
	v0 =	vor.u32 v2, v3;
	v2 =	vmovc v1;
	v1 =	vld.msk [tilespmem:s18+$0x0 ss:$0x1], $0xffff;
	(pc) =	sbr.rel @p0 .LBB2_3-.Ltmp3, $4  }
0x41: {  	v3 =	vand.u32 $0xF80, v5;
	vm1 =	veq.s32 v2, $0x80000000;
	v2 =	vand.u32 $0x7F, v4  }
0x42: {  	v4 =	vsel vm1, $0xFFFFFFFF, v2;
	v5 =	vsel vm1, $0xFFFFFF80, v3  }
0x43: {  	v2 =	vand.u32 $0x7F, v4;
	v3 =	vand.u32 $0xFFFFFC00, v5;
	v4 =	vand.u32 $0xFFFFFC00, v4  }
0x44: {  	s15 =	sadd.s32 $0x10, s15;
	s18 =	sadd.s32 $0x10, s18;
	v3 =	vadd.s32 v4, v3;
	v4 =	vand.u32 $0x380, v5;
	(ifvalue) =	ssetifvalue $0x7FFFFFFF  }
.Ltmp4:
0x45: {  	_ = 	snop;
	(pc) =	sbr.rel .LBB2_4-.Ltmp4, $1  }
0x46: {  	_ =	sdelay $0x3  }
.LBB2_6:
0x47: {  	_ =	sfence.sel $0x180000  }
0x48: {  	s2 =	simm.s32 $0x2;
	[bflag:$0x0] =	sbarrier.arrive $0xFFFF  }
0x49: {  	s30 =	simm.s32 $0x3;
	[sflag:s2] =	ssyncpa.u1 $0x1  }
0x4a: {  	s31 =	simm.s32 $0x1;
	[sflag:s30] =	ssyncpa.u1 $0x1  }
0x4b: {  	[sflag:s31] =	ssyncpa.u1 $0x1  }
0x4c: {  	p0 =	sne.s32 s0, $0x0;
	_ =	strace $0x90000050  }
0x4d: {  	s0 =	sadd.s32 @!p0 $0x100000, s1;
	[bflag:$0x2] =	sbarrier.arrive $0xFFFF  }
0x4e: {  	[sflag:s0] =	ssyncadd.tile.s32 @!p0 $0x1;
	_ =	shalt  }
.Lfunc_end2:
_tile_overlayer_lowered:
.L_overlay_start_2:
0x4f: {  	(tag) =	ssettag $0x2  }
0x50: {  	s0 =	rddreg [dreg:$0x0];
	s2 =	stileid.u32  }
0x51: {  	s1 =	rddreg [dreg:$0x1];
	p0 =	sne.s32 s2, $0x0  }
0x52: {  	s3 =	rddreg [dreg:$0x2];
	[bflag:$0x3] =	sbarrier.arrive $0xFFFF;
	s2 =	simm.s32 @!p0 $0x1C01  }
0x53: {  	[timem:s3], [sflag:s2] =	dma.local @!p0 [hbm:s0], s1  }
0x54: {  	s0 =	simm.s32 @!p0 $0x1  }
0x55: {  	_ =	swait.ge @!p0 [sflag:s0], s1  }
0x56: {  	s1 =	ssub.s32 @!p0 $0x0, s1;
	[sflag:s0] =	ssyncset.done @!p0 $0x0  }
0x57: {  	[sflag:s0] =	ssyncadd.s32 @!p0 s1  }
0x58: {  	[bflag:$0x3] =	sbarrier.arrive $0xFFFF  }
0x59: {  	_ =	shalt  }

// kernel: gather_offload_async_start.2
scs
__scs_entry_jumppad:
0x0: {  	(pc) =	sbr.rel $0x88, $3  }
0x1: {  	(tag) =	ssettag $0x0;
	lr =	simm.s32 $0x1  }
0x2: {  	[smem:$0x3F9B] =	sst lr;
	_ =	strace $0xD0000000  }
0x3: {  	_ = 	snop  }
0x4: {  	_ = 	snop  }
0x5: {  	_ = 	snop  }
0x6: {  	_ = 	snop  }
0x7: {  	_ = 	snop  }
__scs_overlays_trampoline_lowered:
0x8: {  	[smem:$0x3FAA] =	sst s0  }
0x9: {  	[smem:$0x3FAB] =	sst s1  }
0xa: {  	[smem:$0x3FAC] =	sst s2  }
0xb: {  	[smem:$0x3FAD] =	sst s3  }
0xc: {  	[smem:$0x3FAE] =	sst s4  }
0xd: {  	[smem:$0x3FAF] =	sst s5  }
0xe: {  	[smem:$0x3FB0] =	sst s6  }
0xf: {  	[smem:$0x3FB1] =	sst s7  }
0x10: {  	[smem:$0x3FB2] =	sst s8  }
0x11: {  	[smem:$0x3FB3] =	sst s9;
	s0 =	simm.s32 @!p0 $0x0  }
0x12: {  	s1 =	sld [smem:$0x3F99];
	s0 =	simm.s32 @p0 $0x1  }
0x13: {  	[smem:$0x3FB4] =	sst s0;
	s0 =	simm.s32 @!p1 $0x0  }
0x14: {  	s2 =	sld [smem:$0x3F98];
	s0 =	simm.s32 @p1 $0x1  }
0x15: {  	[smem:$0x3FB5] =	sst s0;
	s0 =	simm.s32 @!p2 $0x0  }
0x16: {  	s3 =	sld [smem:$0x3FDB];
	s0 =	simm.s32 @p2 $0x1  }
0x17: {  	s4 =	simm.s32 $0x1BF5;
	[smem:$0x3FB7] =	sst s0  }
0x18: {  	s0 =	sld [smem:$0x3F9A];
	_ =	swait.ge [sflag:s4], $0x0  }
0x19: {  	s7 =	sld [smem:$0x3F9B]  }
0x1a: {  	s8 =	sadd.s32 $0xFFFFE003, lr  }
0x1b: {  	s9 =	sadd.s32 $0xFFFFFEF7, lr;
	s5 =	simm.s32 $0xFFFFFFFF;
	p2 =	slt.u32 s8, $0xFFFFF086  }
0x1c: {  	p1 =	slt.u32 s9, $0xF7A;
	s5 =	simm.s32 @!p2 $0x0  }
0x1d: {  	s5 =	simm.s32 @p1 $0x1;
	p0 =	seq.s32 s7, s2  }
0x1e: {  	s7 =	smul.u32 @!p0 $0xF7A, s2;
	p2 =	seq.s32 @!p0 s5, $0x0  }
0x1f: {  	s9 =	smul.u32 $0xF7A, s1;
	s8 =	simm.s32 @!p0 $0x1BF5;
	p2 =	por !p2, p0  }
0x20: {  	[sflag:s8] =	ssyncset.s32 @!p0 $0xFFFFF086;
	s6 =	sadd.s32 @!p0 s3, s7;
	s7 =	simm.s32 @!p0 $0x108  }
0x21: {  	s3 =	sadd.s32 s3, s9;
	s6 =	sadd.s32 @!p0 $0x88, s6;
	s7 =	simm.s32 @p2 $0x1082  }
0x22: {  	[simem:s7], [sflag:s8] =	dma.local @!p0 [hbm:s6], $0xF7A  }
0x23: {  	s9 =	sor.u32 $0xD0000000, s2;
	s6 =	simm.s32 $0x108;
	_ =	swait.ge @!p0 [sflag:s8], $0x0  }
0x24: {  	s3 =	sadd.s32 $0x88, s3;
	s6 =	simm.s32 @!p1 $0x1082;
	[sflag:s4] =	ssyncset.s32 $0xFFFFF086  }
0x25: {  	[simem:s6], [sflag:s4] =	dma.local [hbm:s3], $0xF7A  }
0x26: {  	[smem:$0x3F9B] =	sst s1;
	(tag) =	ssettag s2;
	_ =	strace s9  }
0x27: {  	s1 =	sld [smem:$0x3FAB]  }
0x28: {  	s2 =	sld [smem:$0x3FAC]  }
0x29: {  	s4 =	sld [smem:$0x3FAE]  }
0x2a: {  	p0 =	seq.s32 s5, $0x0;
	s5 =	sld [smem:$0x3FAF]  }
0x2b: {  	s6 =	sld [smem:$0x3FB0]  }
0x2c: {  	s7 =	sld [smem:$0x3FB1]  }
0x2d: {  	s3 =	simm.s32 $0x108;
	s8 =	sld [smem:$0x3FB2]  }
0x2e: {  	s3 =	simm.s32 @!p0 $0x1082;
	s9 =	sld [smem:$0x3FB3]  }
0x2f: {  	lr =	sadd.s32 s0, s3;
	s0 =	sld [smem:$0x3FAA]  }
0x30: {  	s3 =	sld [smem:$0x3FAD]  }
0x31: {  	[smem:$0x3FB6] =	sst s10  }
0x32: {  	s10 =	sld [smem:$0x3FB4];
	_ =	sdelay $0x3  }
0x33: {  	p0 =	seq.s32 s10, $0x1;
	s10 =	sld [smem:$0x3FB6];
	_ =	sdelay $0x3  }
0x34: {  	[smem:$0x3FB6] =	sst s10  }
0x35: {  	s10 =	sld [smem:$0x3FB5];
	_ =	sdelay $0x3  }
0x36: {  	p1 =	seq.s32 s10, $0x1;
	s10 =	sld [smem:$0x3FB6];
	_ =	sdelay $0x3  }
0x37: {  	[smem:$0x3FB6] =	sst s10  }
0x38: {  	s10 =	sld [smem:$0x3FB7]  }
0x39: {  	_ = 	snop;
	(pc) =	sbr.ind lr, $3  }
0x3a: {  	_ = 	snop  }
0x3b: {  	_ = 	snop  }
0x3c: {  	p2 =	seq.s32 s10, $0x1;
	s10 =	sld [smem:$0x3FB6]  }
0x3d: {  	_ =	shalt  }
0x3e: {  	_ =	shalt  }
0x3f: {  	_ =	shalt  }
0x40: {  	_ =	shalt  }
0x41: {  	_ =	shalt  }
0x42: {  	_ =	shalt  }
0x43: {  	_ =	shalt  }
0x44: {  	_ =	shalt  }
0x45: {  	_ =	shalt  }
0x46: {  	_ =	shalt  }
0x47: {  	_ =	shalt  }
0x48: {  	_ =	shalt  }
0x49: {  	_ =	shalt  }
0x4a: {  	_ =	shalt  }
0x4b: {  	_ =	shalt  }
0x4c: {  	_ =	shalt  }
0x4d: {  	_ =	shalt  }
0x4e: {  	_ =	shalt  }
0x4f: {  	_ =	shalt  }
0x50: {  	_ =	shalt  }
0x51: {  	_ =	shalt  }
0x52: {  	_ =	shalt  }
0x53: {  	_ =	shalt  }
0x54: {  	_ =	shalt  }
0x55: {  	_ =	shalt  }
0x56: {  	_ =	shalt  }
0x57: {  	_ =	shalt  }
0x58: {  	_ =	shalt  }
0x59: {  	_ =	shalt  }
0x5a: {  	_ =	shalt  }
0x5b: {  	_ =	shalt  }
0x5c: {  	_ =	shalt  }
0x5d: {  	_ =	shalt  }
0x5e: {  	_ =	shalt  }
0x5f: {  	_ =	shalt  }
0x60: {  	_ =	shalt  }
0x61: {  	_ =	shalt  }
0x62: {  	_ =	shalt  }
0x63: {  	_ =	shalt  }
0x64: {  	_ =	shalt  }
0x65: {  	_ =	shalt  }
0x66: {  	_ =	shalt  }
0x67: {  	_ =	shalt  }
0x68: {  	_ =	shalt  }
0x69: {  	_ =	shalt  }
0x6a: {  	_ =	shalt  }
0x6b: {  	_ =	shalt  }
0x6c: {  	_ =	shalt  }
0x6d: {  	_ =	shalt  }
0x6e: {  	_ =	shalt  }
0x6f: {  	_ =	shalt  }
0x70: {  	_ =	shalt  }
0x71: {  	_ =	shalt  }
0x72: {  	_ =	shalt  }
0x73: {  	_ =	shalt  }
0x74: {  	_ =	shalt  }
0x75: {  	_ =	shalt  }
0x76: {  	_ =	shalt  }
0x77: {  	_ =	shalt  }
0x78: {  	_ =	shalt  }
0x79: {  	_ =	shalt  }
0x7a: {  	_ =	shalt  }
0x7b: {  	_ =	shalt  }
0x7c: {  	_ =	shalt  }
0x7d: {  	_ =	shalt  }
0x7e: {  	_ =	shalt  }
0x7f: {  	_ =	shalt  }
0x80: {  	_ =	shalt  }
0x81: {  	_ =	shalt  }
0x82: {  	_ =	shalt  }
0x83: {  	_ =	shalt  }
0x84: {  	_ =	shalt  }
0x85: {  	_ =	shalt  }
0x86: {  	_ =	shalt  }
0x87: {  	_ =	shalt  }
.Lfunc_end0:
.L_simem_size_0:
called_computation.2_lowered:
.L_overlay_start_0:
0x88: {  	s2 =	sld [smem:$0x3FD9]  }
0x89: {  	s3 =	sld [smem:$0x3FFE];
	_ =	sdelay $0x1  }
0x8a: {  	s1 =	srdreg.scid  }
0x8b: {  	s0 =	sand.u32 $0x1, s1  }
0x8c: {  	s15 =	sshll.u32 s0, $0xA;
	s2 =	sadd.s32 s3, s2  }
0x8d: {  	s2 =	sadd.s32 s2, s15  }
0x8e: {  	[smem:$0x3FC2] =	sst s2  }
0x8f: {  	_ = 	snop  }
0x90: {  	s2 =	sld [smem:$0x3FD0];
	_ =	sdelay $0x2  }
0x91: {  	s16 =	simm.s32 $0xB;
	s4 =	simm.s32 $0x10  }
0x92: {  	[smem:s4], [sflag:s16] =	dma.local [hbm:s2], $0x1  }
0x93: {  	_ =	swait.eq [sflag:s16], $0x1  }
0x94: {  	[sflag:s16] =	ssyncset.done $0x0  }
0x95: {  	[sflag:s16] =	ssyncadd.s32 $0xFFFFFFFF  }
0x96: {  	s17 =	sld [smem:$0x13];
	(tm) =	ssettm $0x1  }
0x97: {  	s18 =	sld [smem:$0x3FFB];
	_ =	sdelay $0x3  }
0x98: {  	_ =	strace s18  }
0x99: {  	s2 =	sld [smem:$0x3FFC];
	_ =	sdelay $0x3  }
0x9a: {  	_ =	strace s2  }
0x9b: {  	s2 =	sld [smem:$0x3FFD];
	_ =	sdelay $0x3  }
0x9c: {  	_ =	strace s2  }
0x9d: {  	_ =	strace $0x8FFFFFFF  }
0x9e: {  	s19 =	sld [smem:$0x3FDB];
	_ =	sdelay $0x1  }
0x9f: {  	s20 =	simm.s32 $_scs_section_size  }
0xa0: {  	s5 =	simm.s32 $_size__tile_overlayer_lowered;
	s6 =	simm.s32 $_tile_overlayer_lowered  }
0xa1: {  	s7 =	simm.s32 $0x1BFF;
	s21 =	sshll.u32 s6, $0x1;
	s4 =	sadd.s32 s20, s19  }
0xa2: {  	s22 =	simm.s32 $0x0;
	s5 =	sshll.u32 s5, $0x1;
	s6 =	sadd.s32 s21, s4  }
0xa3: {  	[timem:s22], [sflag:s7] =	dma.local [hbm:s6], s5  }
0xa4: {  	_ =	swait.ge [sflag:s7], s5  }
0xa5: {  	s5 =	ssub.s32 $0x0, s5;
	[sflag:s7] =	ssyncset.done $0x0  }
0xa6: {  	[sflag:s7] =	ssyncadd.s32 s5;
	_ =	sdelay $0x1  }
0xa7: {  	s23 =	simm.s32 $0x1B8B  }
0xa8: {  	_ =	swait.ge [sflag:s23], $0x1  }
0xa9: {  	[sflag:s23] =	ssyncset.done $0x0  }
0xaa: {  	[sflag:s23] =	ssyncadd.s32 $0xFFFFFFFF  }
0xab: {  	s5 =	sld [smem:$0x0]  }
0xac: {  	s6 =	sand.u32 $0xFFFFFFFE, s1  }
0xad: {  	p0 =	sne.s32 s1, s6  }
0xae: {  	s6 =	sshll.u32 @p0 s6, $0xE  }
0xaf: {  	s6 =	sadd.s32 @p0 $0x11B8D, s6;
	s7 =	sshll.u32 @p0 s5, $0x11  }
0xb0: {  	s6 =	sor.u32 @p0 s7, s6  }
0xb1: {  	[sflag:s6] =	ssyncadd.remote.s32 @p0 $0x1;
	_ =	sdelay $0x1  }
0xb2: {  	s6 =	simm.s32 @p0 $0x1B8D  }
0xb3: {  	_ =	swait.eq @p0 [sflag:s6], $0x1  }
0xb4: {  	[sflag:s6] =	ssyncadd.s32 @p0 $0xFFFFFFFF  }
0xb5: {  	s7 =	sshll.u32 @!p0 s1, $0xE  }
0xb6: {  	s7 =	sor.u32 @!p0 $0x4000, s7;
	s6 =	simm.s32 @!p0 $0x1B8D  }
0xb7: {  	s5 =	sshll.u32 @!p0 s5, $0x11;
	s7 =	sadd.s32 @!p0 $0x11B8D, s7;
	_ =	swait.eq @!p0 [sflag:s6], $0x1  }
0xb8: {  	s5 =	sor.u32 @!p0 s5, s7;
	[sflag:s6] =	ssyncadd.s32 @!p0 $0xFFFFFFFF  }
0xb9: {  	s25 =	simm.s32 $0x1B8E;
	s24 =	sld [smem:$0x3FFE];
	[sflag:s5] =	ssyncadd.remote.s32 @!p0 $0x1  }
0xba: {  	s26 =	simm.s32 $execute0_lowered;
	[smem:$0x3FD2] =	sst s25  }
0xbb: {  	s6 =	sshll.u32 s26, $0x1;
	_ =	strace $0x80000052;
	[dreg:$0x1] =	wrdreg $0xFFFFFFFF  }
0xbc: {  	s28 =	simm.s32 $_size_execute0_lowered;
	s4 =	sadd.s32 s4, s6;
	[dreg:$0x0] =	wrdreg $0x0  }
0xbd: {  	s6 =	sshll.u32 s28, $0x1;
	[dreg:$0x2] =	wrdreg s4  }
0xbe: {  	[dreg:$0x3] =	wrdreg s6  }
0xbf: {  	[dreg:$0x4] =	wrdreg $0xC0  }
0xc0: {  	_ =	task [dreg:s22], $0x5FFFF  }
0xc1: {  	[dreg:$0x1] =	wrdreg $0xFFFFFFFF  }
0xc2: {  	[dreg:$0x0] =	wrdreg $0x60  }
0xc3: {  	[dreg:$0x2] =	wrdreg s24  }
0xc4: {  	[dreg:$0x3] =	wrdreg s17  }
0xc5: {  	[dreg:$0x4] =	wrdreg $0xA  }
0xc6: {  	_ =	task.clear_ibuf [dreg:s22], $0x5FFFF;
	_ =	strace $0x90000052  }
0xc7: {  	s29 =	simm.s32 $0xA;
	_ =	strace $0x80000054  }
0xc8: {  	_ =	swait.ge [sflag:s29], $0x1  }
0xc9: {  	[sflag:s29] =	ssyncadd.s32 $0xFFFFFFFF  }
0xca: {  	_ =	strace $0x90000054  }
0xcb: {  	_ =	sfence  }
0xcc: {  	s30 =	sld [smem:$0x0];
	_ =	sdelay $0x2  }
0xcd: {  	s31 =	sshll.u32 s1, $0xD;
	s1 =	sshrl.u32 s1, $0x2  }
0xce: {  	s4 =	sand.u32 $0x4000, s31;
	s1 =	sadd.s32 s1, s30  }
0xcf: {  	s0 =	sor.u32 s4, s0;
	s1 =	sshll.u32 s1, $0x11  }
0xd0: {  	s0 =	sor.u32 s1, s0  }
0xd1: {  	s0 =	sadd.s32 $0x8F2B, s0  }
0xd2: {  	[sflag:s0] =	ssyncadd.remote.s32 $0x1  }
0xd3: {  	_ =	sfence.sel $0xFFFF  }
0xd4: {  	[dreg:$0x0] =	wrdreg $0xFFFFFFFF;
	(pc) =	sbr.abs _section_cstart, $3  }
0xd5: {  	[dreg:$0x1] =	wrdreg $0xFFFFFFFF  }
0xd6: {  	_ =	task.clear_ibuf [dreg:s22], $0x2FFFF;
	_ =	strace $0x9FFFFFFF  }
0xd7: {  	(tm) =	ssettm $0x7FFFFFFF  }
tec
execute0_lowered:
.L_overlay_start_1:
0x0: {  	(tag) =	ssettag $0x1  }
0x1: {  	s0 =	srdreg.scid  }
0x2: {  	s1 =	sshll.u32 s0, $0x4  }
0x3: {  	s0 =	stileid.u32;
	s1 =	sand.u32 $0x10, s1  }
0x4: {  	s9 =	rddreg [dreg:$0x0];
	s1 =	sor.u32 s0, s1  }
0x5: {  	s3 =	rddreg [dreg:$0x1];
	s2 =	smin.u32 s1, $0x12  }
0x6: {  	p0 =	slt.u32 s1, $0x12;
	s2 =	sadd.s32 s1, s2;
	s1 =	simm.s32 $0x80  }
0x7: {  	s6 =	simm.s32 $0x1;
	s2 =	sshll.u32 s2, $0x6;
	s1 =	simm.s32 @!p0 $0x40  }
0x8: {  	s7 =	simm.s32 $0x2;
	s10 =	simm.s32 $0x3;
	s4 =	sadd.s32 s1, s2  }
0x9: {  	s13 =	simm.s32 $0x0;
	s12 =	simm.s32 $0x0;
	s4 =	smin.u32 s4, $0xC80  }
.Ltmp0:
0xa: {  	s5 =	sadd.s32 $0x200, s9;
	s8 =	ssub.s32 s4, s2;
	(pc) =	sbr.rel .LBB2_1-.Ltmp0, $4  }
0xb: {  	s1 =	rddreg [dreg:$0x2];
	_ =	strace $0x80000053;
	p0 =	sgt.s32 s8, $0x0  }
0xc: {  	s9 =	sadd.s32 $0x19400, s9;
	[sflag:s6] =	ssyncpa.u1 $0x0;
	s8 =	simm.s32 @!p0 $0x0  }
0xd: {  	s11 =	smov.u32 s2;
	[sflag:s7] =	ssyncpa.u1 $0x0;
	s8 =	sshrl.u32 s8, $0x6  }
0xe: {  	vm0 =	vmmov $0xff;
	vm1 =	vcmask $0x3F20;
	[sflag:s10] =	ssyncpa.u1 $0x0;
	p0 =	por $0x0, $0x0;
	s10 =	sadd.s32 $0x1, s8  }
.LBB2_6:
0xf: {  	[hbm:s17] =	stream.linear.scatter [tilespmem:s14], [sflag:$0x3], $0x400, $0x38;
	[tilespmem:$0x4080] =	vst v63  }
.LBB2_7:
0x10: {  	s13 =	sadd.s32 $0x40, s11  }
0x11: {  	s15 =	smov.u32 s2;
	p2 =	slt.s32 s13, s4  }
0x12: {  	s15 =	smov.u32 @p2 s13;
	p2 =	sne.s32 s12, s10  }
.Ltmp1:
0x13: {  	p1 =	slt.u32 s12, $0x2;
	(pc) =	sbr.rel @!p2 .LBB2_8-.Ltmp1, $4  }
0x14: {  	s14 =	simm.s32 @!p1 $0x3  }
0x15: {  	s16 =	sadd.s32 $0x1, s12;
	_ =	swait.ge @!p1 [sflag:s14], $0x2000  }
0x16: {  	p0 =	por !p0, !p0;
	s13 =	smov.u32 s11;
	[sflag:s14] =	ssyncset.done @!p1 $0x0  }
0x17: {  	s12 =	smov.u32 s16;
	s11 =	smov.u32 s15;
	[sflag:s14] =	ssyncadd.s32 @!p1 $0xFFFFE000  }
.LBB2_1:
0x18: {  	p1 =	sge.u32 s12, s8  }
0x19: {  	s14 =	sxor.u32 @!p1 $0xFFFFFFFF, s12  }
0x1a: {  	s31 =	sadd.s32 $0xFFFFFFFF, s12;
	s15 =	sshrl.u32 @!p1 s11, $0x3;
	s14 =	sshll.u32 @!p1 s14, $0x6  }
0x1b: {  	s16 =	sand.u32 @!p1 $0x7, s11;
	s15 =	sadd.s32 @!p1 s3, s15;
	s14 =	sand.u32 @!p1 $0x40, s14  }
0x1c: {  	[tilespmem:s14], [sflag:$0x2] =	stream.linear.gather @!p1 [hbm4b:s15+s16], $0x40, $0x38;
	[tilespmem:$0x4080] =	vst v63  }
0x1d: {  	p1 =	sge.u32 s31, s8  }
.Ltmp2:
0x1e: {  	_ = 	snop;
	(pc) =	sbr.rel @p1 .LBB2_7-.Ltmp2, $1  }
0x1f: {  	_ =	sdelay $0x3  }
0x20: {  	s14 =	simm.s32 $0x1  }
0x21: {  	_ =	swait.ge [sflag:s7], $0x40;
	s14 =	simm.s32 @!p0 $0x0  }
0x22: {  	[sflag:s7] =	ssyncset.done $0x0;
	s16 =	sshll.u32 s14, $0x6  }
0x23: {  	[sflag:s7] =	ssyncadd.s32 $0xFFFFFFC0;
	s15 =	sadd.s32 $0x0, s16  }
0x24: {  	v0 =	vld.msk [tilespmem:s15+$0x0 ss:$0x1], $0xffff;
	_ =	sdelay $0x4  }
0x25: {  	v1 =	vshll.u32 v0, $0x7  }
0x26: {  	vm2 =	veq.s32 v0, $0x80000000;
	v0 =	vand.u32 $0xF80, v1  }
0x27: {  	v1 =	vand.u32 $0x7F000, v1;
	v0 =	vsel vm2, $0xFFFFFF80, v0  }
0x28: {  	v1 =	vsel vm2, $0xFFFFF000, v1;
	v2 =	vand.u32 $0xFFFFFC00, v0  }
0x29: {  	v0 =	vand.u32 $0x380, v0;
	v1 =	vadd.s32 v1, v2  }
0x2a: {  	v0 =	vor.u32 v0, v1  }
0x2b: {  	v0 =	vshrl.u32 v0, $0x3;
	_ =	sdelay $0x2  }
0x2c: {  	s14 =	sshll.u32 s14, $0xD  }
0x2d: {  	s14 =	sor.u32 $0x80, s14  }
0x2e: {  	[tilespmem:s14], [sflag:$0x1] =	stream.indirect_vreg.gather [hbm:s5], $0x80, v0, vm0, $0x38;
	[tilespmem:$0x4080] =	vst v63  }
0x2f: {  	s17 =	sadd.s32 $0x10, s16;
	s15 =	sadd.s32 $0x400, s14  }
0x30: {  	[tilespmem:s15], [sflag:$0x1] =	stream.indirect_vreg.gather [hbm:s5], $0x80, v0, vm1, $0x38;
	[tilespmem:$0x4080] =	vst v63  }
0x31: {  	s18 =	simm.s32 $0x80;
	v0 =	vld.msk [tilespmem:s17+$0x0 ss:$0x1], $0xffff;
	s17 =	smov.u32 s14  }
.LBB2_3:
0x32: {  	p1 =	sne.s32 s18, $0xC0;
	_ =	sdelay $0x4  }
0x33: {  	v1 =	vshll.u32 v0, $0x7  }
0x34: {  	vm2 =	veq.s32 v0, $0x80000000;
	v0 =	vand.u32 $0xF80, v1  }
0x35: {  	v1 =	vand.u32 $0x7F000, v1;
	v0 =	vsel vm2, $0xFFFFFF80, v0  }
0x36: {  	v1 =	vsel vm2, $0xFFFFF000, v1;
	v2 =	vand.u32 $0xFFFFFC00, v0  }
0x37: {  	v0 =	vand.u32 $0x380, v0;
	v1 =	vadd.s32 v1, v2  }
0x38: {  	v0 =	vor.u32 v0, v1  }
0x39: {  	v0 =	vshrl.u32 v0, $0x3;
	_ =	sdelay $0x3  }
.Ltmp3:
0x3a: {  	s19 =	sshra.s32 s18, $0x2;
	s17 =	sadd.s32 $0x800, s17;
	(pc) =	sbr.rel @p1 .LBB2_3-.Ltmp3, $4  }
0x3b: {  	[tilespmem:s17], [sflag:$0x1] =	stream.indirect_vreg.gather [hbm:s5], $0x80, v0, vm0, $0x38;
	[tilespmem:$0x4080] =	vst v63  }
0x3c: {  	s19 =	sadd.s32 s19, s16;
	s20 =	sadd.s32 $0x400, s17  }
0x3d: {  	[tilespmem:s20], [sflag:$0x1] =	stream.indirect_vreg.gather [hbm:s5], $0x80, v0, vm1, $0x38;
	[tilespmem:$0x4080] =	vst v63  }
0x3e: {  	s18 =	sadd.s32 $0x40, s18;
	v0 =	vld.msk [tilespmem:s19+$0x0 ss:$0x1], $0xffff  }
0x3f: {  	_ =	sdelay $0x3  }
0x40: {  	v1 =	vshll.u32 v0, $0x7  }
0x41: {  	vm2 =	veq.s32 v0, $0x80000000;
	v63 =	vand.u32 $0xF80, v1  }
0x42: {  	v1 =	vand.u32 $0x7F000, v1;
	v0 =	vsel vm2, $0xFFFFFF80, v63  }
0x43: {  	v1 =	vsel vm2, $0xFFFFF000, v1;
	v2 =	vand.u32 $0xFFFFFC00, v0  }
0x44: {  	v0 =	vand.u32 $0x380, v0;
	v1 =	vadd.s32 v1, v2  }
0x45: {  	v0 =	vor.u32 v0, v1  }
0x46: {  	v0 =	vshrl.u32 v0, $0x3;
	_ =	sdelay $0x3  }
0x47: {  	s16 =	sadd.s32 $0x800, s17  }
0x48: {  	[tilespmem:s16], [sflag:$0x1] =	stream.indirect_vreg.gather [hbm:s5], $0x80, v0, vm0, $0x38;
	[tilespmem:$0x4080] =	vst v63  }
0x49: {  	s16 =	sadd.s32 $0x400, s16  }
0x4a: {  	[tilespmem:s16], [sflag:$0x1] =	stream.indirect_vreg.gather [hbm:s5], $0x80, v0, vm1, $0x38;
	[tilespmem:$0x4080] =	vst v63  }
0x4b: {  	s13 =	sshll.u32 s13, $0x4;
	_ =	swait.ge [sflag:s6], $0x2000  }
0x4c: {  	s13 =	sadd.s32 s13, s9;
	[sflag:s6] =	ssyncset.done $0x0  }
0x4d: {  	s17 =	sadd.s32 $0x0, s13;
	s16 =	simm.s32 $0x80;
	[sflag:s6] =	ssyncadd.s32 $0xFFFFE000  }
.LBB2_5:
0x4e: {  	[hbm:s17] =	stream.linear.scatter [tilespmem:s14], [sflag:$0x3], $0x400, $0x38;
	[tilespmem:$0x4080] =	vst v63  }
0x4f: {  	s17 =	smov.u32 s16;
	s14 =	smov.u32 s15;
	p1 =	sne.s32 s16, $0x380  }
.Ltmp4:
0x50: {  	s16 =	sadd.s32 $0x80, s16;
	(pc) =	sbr.rel @p1 .LBB2_5-.Ltmp4, $2  }
0x51: {  	_ =	sdelay $0x2  }
0x52: {  	s15 =	sadd.s32 $0x400, s15;
	s17 =	sadd.s32 s17, s13  }
.Ltmp5:
0x53: {  	_ = 	snop;
	(pc) =	sbr.rel .LBB2_6-.Ltmp5, $1  }
0x54: {  	_ =	sdelay $0x3  }
.LBB2_8:
0x55: {  	_ =	sfence.sel $0x180000  }
0x56: {  	s2 =	simm.s32 $0x2;
	[bflag:$0x0] =	sbarrier.arrive $0xFFFF  }
0x57: {  	s30 =	simm.s32 $0x3;
	[sflag:s2] =	ssyncpa.u1 $0x1  }
0x58: {  	s31 =	simm.s32 $0x1;
	[sflag:s30] =	ssyncpa.u1 $0x1  }
0x59: {  	[sflag:s31] =	ssyncpa.u1 $0x1  }
0x5a: {  	p0 =	sne.s32 s0, $0x0;
	_ =	strace $0x90000053  }
0x5b: {  	s0 =	sadd.s32 @!p0 $0x100000, s1;
	[bflag:$0x2] =	sbarrier.arrive $0xFFFF  }
0x5c: {  	[sflag:s0] =	ssyncadd.tile.s32 @!p0 $0x1;
	_ =	shalt  }
.Lfunc_end2:
_tile_overlayer_lowered:
.L_overlay_start_2:
0x5d: {  	(tag) =	ssettag $0x2  }
0x5e: {  	s0 =	rddreg [dreg:$0x0];
	s2 =	stileid.u32  }
0x5f: {  	s1 =	rddreg [dreg:$0x1];
	p0 =	sne.s32 s2, $0x0  }
0x60: {  	s3 =	rddreg [dreg:$0x2];
	[bflag:$0x3] =	sbarrier.arrive $0xFFFF;
	s2 =	simm.s32 @!p0 $0x1C01  }
0x61: {  	[timem:s3], [sflag:s2] =	dma.local @!p0 [hbm:s0], s1  }
0x62: {  	s0 =	simm.s32 @!p0 $0x1  }
0x63: {  	_ =	swait.ge @!p0 [sflag:s0], s1  }
0x64: {  	s1 =	ssub.s32 @!p0 $0x0, s1;
	[sflag:s0] =	ssyncset.done @!p0 $0x0  }
0x65: {  	[sflag:s0] =	ssyncadd.s32 @!p0 s1  }
0x66: {  	[bflag:$0x3] =	sbarrier.arrive $0xFFFF  }
0x67: {  	_ =	shalt  }

// kernel: gather_offload_async_start.3
scs
__scs_entry_jumppad:
0x0: {  	(pc) =	sbr.rel $0x88, $3  }
0x1: {  	(tag) =	ssettag $0x0;
	lr =	simm.s32 $0x1  }
0x2: {  	[smem:$0x3F9B] =	sst lr;
	_ =	strace $0xD0000000  }
0x3: {  	_ = 	snop  }
0x4: {  	_ = 	snop  }
0x5: {  	_ = 	snop  }
0x6: {  	_ = 	snop  }
0x7: {  	_ = 	snop  }
__scs_overlays_trampoline_lowered:
0x8: {  	[smem:$0x3FAA] =	sst s0  }
0x9: {  	[smem:$0x3FAB] =	sst s1  }
0xa: {  	[smem:$0x3FAC] =	sst s2  }
0xb: {  	[smem:$0x3FAD] =	sst s3  }
0xc: {  	[smem:$0x3FAE] =	sst s4  }
0xd: {  	[smem:$0x3FAF] =	sst s5  }
0xe: {  	[smem:$0x3FB0] =	sst s6  }
0xf: {  	[smem:$0x3FB1] =	sst s7  }
0x10: {  	[smem:$0x3FB2] =	sst s8  }
0x11: {  	[smem:$0x3FB3] =	sst s9;
	s0 =	simm.s32 @!p0 $0x0  }
0x12: {  	s1 =	sld [smem:$0x3F99];
	s0 =	simm.s32 @p0 $0x1  }
0x13: {  	[smem:$0x3FB4] =	sst s0;
	s0 =	simm.s32 @!p1 $0x0  }
0x14: {  	s2 =	sld [smem:$0x3F98];
	s0 =	simm.s32 @p1 $0x1  }
0x15: {  	[smem:$0x3FB5] =	sst s0;
	s0 =	simm.s32 @!p2 $0x0  }
0x16: {  	s3 =	sld [smem:$0x3FDB];
	s0 =	simm.s32 @p2 $0x1  }
0x17: {  	s4 =	simm.s32 $0x1BF5;
	[smem:$0x3FB7] =	sst s0  }
0x18: {  	s0 =	sld [smem:$0x3F9A];
	_ =	swait.ge [sflag:s4], $0x0  }
0x19: {  	s7 =	sld [smem:$0x3F9B]  }
0x1a: {  	s8 =	sadd.s32 $0xFFFFE003, lr  }
0x1b: {  	s9 =	sadd.s32 $0xFFFFFEF7, lr;
	s5 =	simm.s32 $0xFFFFFFFF;
	p2 =	slt.u32 s8, $0xFFFFF086  }
0x1c: {  	p1 =	slt.u32 s9, $0xF7A;
	s5 =	simm.s32 @!p2 $0x0  }
0x1d: {  	s5 =	simm.s32 @p1 $0x1;
	p0 =	seq.s32 s7, s2  }
0x1e: {  	s7 =	smul.u32 @!p0 $0xF7A, s2;
	p2 =	seq.s32 @!p0 s5, $0x0  }
0x1f: {  	s9 =	smul.u32 $0xF7A, s1;
	s8 =	simm.s32 @!p0 $0x1BF5;
	p2 =	por !p2, p0  }
0x20: {  	[sflag:s8] =	ssyncset.s32 @!p0 $0xFFFFF086;
	s6 =	sadd.s32 @!p0 s3, s7;
	s7 =	simm.s32 @!p0 $0x108  }
0x21: {  	s3 =	sadd.s32 s3, s9;
	s6 =	sadd.s32 @!p0 $0x88, s6;
	s7 =	simm.s32 @p2 $0x1082  }
0x22: {  	[simem:s7], [sflag:s8] =	dma.local @!p0 [hbm:s6], $0xF7A  }
0x23: {  	s9 =	sor.u32 $0xD0000000, s2;
	s6 =	simm.s32 $0x108;
	_ =	swait.ge @!p0 [sflag:s8], $0x0  }
0x24: {  	s3 =	sadd.s32 $0x88, s3;
	s6 =	simm.s32 @!p1 $0x1082;
	[sflag:s4] =	ssyncset.s32 $0xFFFFF086  }
0x25: {  	[simem:s6], [sflag:s4] =	dma.local [hbm:s3], $0xF7A  }
0x26: {  	[smem:$0x3F9B] =	sst s1;
	(tag) =	ssettag s2;
	_ =	strace s9  }
0x27: {  	s1 =	sld [smem:$0x3FAB]  }
0x28: {  	s2 =	sld [smem:$0x3FAC]  }
0x29: {  	s4 =	sld [smem:$0x3FAE]  }
0x2a: {  	p0 =	seq.s32 s5, $0x0;
	s5 =	sld [smem:$0x3FAF]  }
0x2b: {  	s6 =	sld [smem:$0x3FB0]  }
0x2c: {  	s7 =	sld [smem:$0x3FB1]  }
0x2d: {  	s3 =	simm.s32 $0x108;
	s8 =	sld [smem:$0x3FB2]  }
0x2e: {  	s3 =	simm.s32 @!p0 $0x1082;
	s9 =	sld [smem:$0x3FB3]  }
0x2f: {  	lr =	sadd.s32 s0, s3;
	s0 =	sld [smem:$0x3FAA]  }
0x30: {  	s3 =	sld [smem:$0x3FAD]  }
0x31: {  	[smem:$0x3FB6] =	sst s10  }
0x32: {  	s10 =	sld [smem:$0x3FB4];
	_ =	sdelay $0x3  }
0x33: {  	p0 =	seq.s32 s10, $0x1;
	s10 =	sld [smem:$0x3FB6];
	_ =	sdelay $0x3  }
0x34: {  	[smem:$0x3FB6] =	sst s10  }
0x35: {  	s10 =	sld [smem:$0x3FB5];
	_ =	sdelay $0x3  }
0x36: {  	p1 =	seq.s32 s10, $0x1;
	s10 =	sld [smem:$0x3FB6];
	_ =	sdelay $0x3  }
0x37: {  	[smem:$0x3FB6] =	sst s10  }
0x38: {  	s10 =	sld [smem:$0x3FB7]  }
0x39: {  	_ = 	snop;
	(pc) =	sbr.ind lr, $3  }
0x3a: {  	_ = 	snop  }
0x3b: {  	_ = 	snop  }
0x3c: {  	p2 =	seq.s32 s10, $0x1;
	s10 =	sld [smem:$0x3FB6]  }
0x3d: {  	_ =	shalt  }
0x3e: {  	_ =	shalt  }
0x3f: {  	_ =	shalt  }
0x40: {  	_ =	shalt  }
0x41: {  	_ =	shalt  }
0x42: {  	_ =	shalt  }
0x43: {  	_ =	shalt  }
0x44: {  	_ =	shalt  }
0x45: {  	_ =	shalt  }
0x46: {  	_ =	shalt  }
0x47: {  	_ =	shalt  }
0x48: {  	_ =	shalt  }
0x49: {  	_ =	shalt  }
0x4a: {  	_ =	shalt  }
0x4b: {  	_ =	shalt  }
0x4c: {  	_ =	shalt  }
0x4d: {  	_ =	shalt  }
0x4e: {  	_ =	shalt  }
0x4f: {  	_ =	shalt  }
0x50: {  	_ =	shalt  }
0x51: {  	_ =	shalt  }
0x52: {  	_ =	shalt  }
0x53: {  	_ =	shalt  }
0x54: {  	_ =	shalt  }
0x55: {  	_ =	shalt  }
0x56: {  	_ =	shalt  }
0x57: {  	_ =	shalt  }
0x58: {  	_ =	shalt  }
0x59: {  	_ =	shalt  }
0x5a: {  	_ =	shalt  }
0x5b: {  	_ =	shalt  }
0x5c: {  	_ =	shalt  }
0x5d: {  	_ =	shalt  }
0x5e: {  	_ =	shalt  }
0x5f: {  	_ =	shalt  }
0x60: {  	_ =	shalt  }
0x61: {  	_ =	shalt  }
0x62: {  	_ =	shalt  }
0x63: {  	_ =	shalt  }
0x64: {  	_ =	shalt  }
0x65: {  	_ =	shalt  }
0x66: {  	_ =	shalt  }
0x67: {  	_ =	shalt  }
0x68: {  	_ =	shalt  }
0x69: {  	_ =	shalt  }
0x6a: {  	_ =	shalt  }
0x6b: {  	_ =	shalt  }
0x6c: {  	_ =	shalt  }
0x6d: {  	_ =	shalt  }
0x6e: {  	_ =	shalt  }
0x6f: {  	_ =	shalt  }
0x70: {  	_ =	shalt  }
0x71: {  	_ =	shalt  }
0x72: {  	_ =	shalt  }
0x73: {  	_ =	shalt  }
0x74: {  	_ =	shalt  }
0x75: {  	_ =	shalt  }
0x76: {  	_ =	shalt  }
0x77: {  	_ =	shalt  }
0x78: {  	_ =	shalt  }
0x79: {  	_ =	shalt  }
0x7a: {  	_ =	shalt  }
0x7b: {  	_ =	shalt  }
0x7c: {  	_ =	shalt  }
0x7d: {  	_ =	shalt  }
0x7e: {  	_ =	shalt  }
0x7f: {  	_ =	shalt  }
0x80: {  	_ =	shalt  }
0x81: {  	_ =	shalt  }
0x82: {  	_ =	shalt  }
0x83: {  	_ =	shalt  }
0x84: {  	_ =	shalt  }
0x85: {  	_ =	shalt  }
0x86: {  	_ =	shalt  }
0x87: {  	_ =	shalt  }
.Lfunc_end0:
.L_simem_size_0:
called_computation.3_lowered:
.L_overlay_start_0:
0x88: {  	s2 =	sld [smem:$0x3FD9]  }
0x89: {  	s3 =	sld [smem:$0x3FFE];
	_ =	sdelay $0x1  }
0x8a: {  	s1 =	srdreg.scid  }
0x8b: {  	s0 =	sand.u32 $0x1, s1  }
0x8c: {  	s14 =	sshll.u32 s0, $0xA;
	s2 =	sadd.s32 s3, s2  }
0x8d: {  	s2 =	sadd.s32 s2, s14  }
0x8e: {  	[smem:$0x3FC2] =	sst s2  }
0x8f: {  	_ = 	snop  }
0x90: {  	s2 =	sld [smem:$0x3FD0];
	_ =	sdelay $0x2  }
0x91: {  	s15 =	simm.s32 $0xB;
	s4 =	simm.s32 $0x10  }
0x92: {  	[smem:s4], [sflag:s15] =	dma.local [hbm:s2], $0x1  }
0x93: {  	_ =	swait.eq [sflag:s15], $0x1  }
0x94: {  	[sflag:s15] =	ssyncset.done $0x0  }
0x95: {  	[sflag:s15] =	ssyncadd.s32 $0xFFFFFFFF  }
0x96: {  	s16 =	sld [smem:$0x13];
	(tm) =	ssettm $0x1  }
0x97: {  	s17 =	sld [smem:$0x3FFB];
	_ =	sdelay $0x3  }
0x98: {  	_ =	strace s17  }
0x99: {  	s3 =	sld [smem:$0x3FFC];
	_ =	sdelay $0x3  }
0x9a: {  	_ =	strace s3  }
0x9b: {  	s3 =	sld [smem:$0x3FFD];
	_ =	sdelay $0x3  }
0x9c: {  	_ =	strace s3  }
0x9d: {  	_ =	strace $0x8FFFFFFF  }
0x9e: {  	s18 =	sld [smem:$0x3FDB];
	_ =	sdelay $0x1  }
0x9f: {  	s19 =	simm.s32 $_scs_section_size  }
0xa0: {  	s5 =	simm.s32 $_size__tile_overlayer_lowered;
	s6 =	simm.s32 $_tile_overlayer_lowered  }
0xa1: {  	s22 =	simm.s32 $0x1BFF;
	s21 =	sshll.u32 s6, $0x1;
	s3 =	sadd.s32 s19, s18  }
0xa2: {  	s7 =	simm.s32 $0x0;
	s20 =	sshll.u32 s5, $0x1;
	s5 =	sadd.s32 s21, s3  }
0xa3: {  	[timem:s7], [sflag:s22] =	dma.local [hbm:s5], s20  }
0xa4: {  	_ =	swait.ge [sflag:s22], s20  }
0xa5: {  	s4 =	ssub.s32 $0x0, s20;
	[sflag:s22] =	ssyncset.done $0x0  }
0xa6: {  	[sflag:s22] =	ssyncadd.s32 s4;
	_ =	sdelay $0x1  }
0xa7: {  	s23 =	simm.s32 $0x1B8B  }
0xa8: {  	_ =	swait.ge [sflag:s23], $0x1  }
0xa9: {  	[sflag:s23] =	ssyncset.done $0x0  }
0xaa: {  	s25 =	simm.s32 $0x1B8E;
	s24 =	sld [smem:$0x3FFE];
	[sflag:s23] =	ssyncadd.s32 $0xFFFFFFFF  }
0xab: {  	s26 =	simm.s32 $execute0_lowered;
	[smem:$0x3FD2] =	sst s25  }
0xac: {  	s5 =	sshll.u32 s26, $0x1;
	_ =	strace $0x80000055;
	[dreg:$0x1] =	wrdreg $0xFFFFFFFF  }
0xad: {  	s28 =	simm.s32 $_size_execute0_lowered;
	s3 =	sadd.s32 s3, s5;
	[dreg:$0x0] =	wrdreg $0x0  }
0xae: {  	s5 =	sshll.u32 s28, $0x1;
	[dreg:$0x2] =	wrdreg s3  }
0xaf: {  	[dreg:$0x3] =	wrdreg s5  }
0xb0: {  	[dreg:$0x4] =	wrdreg $0xC0  }
0xb1: {  	_ =	task [dreg:s7], $0x5FFFF  }
0xb2: {  	[dreg:$0x1] =	wrdreg $0xFFFFFFFF  }
0xb3: {  	[dreg:$0x0] =	wrdreg $0x60  }
0xb4: {  	[dreg:$0x2] =	wrdreg s24  }
0xb5: {  	[dreg:$0x3] =	wrdreg s16  }
0xb6: {  	[dreg:$0x4] =	wrdreg $0x9  }
0xb7: {  	_ =	task.clear_ibuf [dreg:s7], $0x5FFFF;
	_ =	strace $0x90000055  }
0xb8: {  	s29 =	simm.s32 $0x9;
	_ =	strace $0x80000057  }
0xb9: {  	_ =	swait.ge [sflag:s29], $0x1  }
0xba: {  	[sflag:s29] =	ssyncadd.s32 $0xFFFFFFFF  }
0xbb: {  	_ =	strace $0x90000057  }
0xbc: {  	_ =	sfence  }
0xbd: {  	s30 =	sld [smem:$0x0];
	_ =	sdelay $0x2  }
0xbe: {  	s31 =	sshll.u32 s1, $0xD;
	s1 =	sshrl.u32 s1, $0x2  }
0xbf: {  	s3 =	sand.u32 $0x4000, s31;
	s1 =	sadd.s32 s1, s30  }
0xc0: {  	s0 =	sor.u32 s3, s0;
	s1 =	sshll.u32 s1, $0x11  }
0xc1: {  	s0 =	sor.u32 s1, s0  }
0xc2: {  	s0 =	sadd.s32 $0x8F2B, s0  }
0xc3: {  	[sflag:s0] =	ssyncadd.remote.s32 $0x1  }
0xc4: {  	_ =	sfence.sel $0xFFFF  }
0xc5: {  	[dreg:$0x0] =	wrdreg $0xFFFFFFFF;
	(pc) =	sbr.abs _section_cstart, $3  }
0xc6: {  	[dreg:$0x1] =	wrdreg $0xFFFFFFFF  }
0xc7: {  	_ =	task.clear_ibuf [dreg:s7], $0x2FFFF;
	_ =	strace $0x9FFFFFFF  }
0xc8: {  	(tm) =	ssettm $0x7FFFFFFF  }
0xc9: {  	_ =	shalt  }
tec
execute0_lowered:
.L_overlay_start_1:
0x0: {  	(tag) =	ssettag $0x1  }
0x1: {  	s0 =	srdreg.scid  }
0x2: {  	s1 =	sshll.u32 s0, $0x4  }
0x3: {  	s0 =	stileid.u32;
	s1 =	sand.u32 $0x10, s1  }
0x4: {  	s1 =	sor.u32 s0, s1  }
0x5: {  	s3 =	rddreg [dreg:$0x0];
	s2 =	smin.u32 s1, $0x12  }
0x6: {  	p0 =	slt.u32 s1, $0x12;
	s2 =	sadd.s32 s1, s2;
	s1 =	simm.s32 $0x80  }
0x7: {  	s4 =	rddreg [dreg:$0x1];
	s2 =	sshll.u32 s2, $0x6;
	s1 =	simm.s32 @!p0 $0x40  }
0x8: {  	s6 =	simm.s32 $0x1;
	s7 =	simm.s32 $0x2;
	s1 =	sadd.s32 s1, s2  }
0x9: {  	s10 =	simm.s32 $0x3;
	s13 =	simm.s32 $0x0;
	s5 =	smin.u32 s1, $0xC80  }
.Ltmp0:
0xa: {  	s12 =	simm.s32 $0x0;
	s8 =	ssub.s32 s5, s2;
	(pc) =	sbr.rel .LBB2_1-.Ltmp0, $4  }
0xb: {  	s1 =	rddreg [dreg:$0x2];
	_ =	strace $0x80000056;
	p0 =	sgt.s32 s8, $0x0  }
0xc: {  	s9 =	sadd.s32 $0xCA00, s3;
	[sflag:s6] =	ssyncpa.u1 $0x0;
	s8 =	simm.s32 @!p0 $0x0  }
0xd: {  	s11 =	smov.u32 s2;
	[sflag:s7] =	ssyncpa.u1 $0x0;
	s8 =	sshrl.u32 s8, $0x6  }
0xe: {  	vm0 =	vmmov $0xff;
	vm1 =	vcmask $0x3F20;
	[sflag:s10] =	ssyncpa.u1 $0x0;
	p0 =	por $0x0, $0x0;
	s10 =	sadd.s32 $0x1, s8  }
.LBB2_6:
0xf: {  	[hbm:s17] =	stream.linear.scatter [tilespmem:s14], [sflag:$0x3], $0x400, $0x38;
	[tilespmem:$0x4080] =	vst v63  }
.LBB2_7:
0x10: {  	s13 =	sadd.s32 $0x40, s11  }
0x11: {  	s15 =	smov.u32 s2;
	p2 =	slt.s32 s13, s5  }
0x12: {  	s15 =	smov.u32 @p2 s13;
	p2 =	sne.s32 s12, s10  }
.Ltmp1:
0x13: {  	p1 =	slt.u32 s12, $0x2;
	(pc) =	sbr.rel @!p2 .LBB2_8-.Ltmp1, $4  }
0x14: {  	s14 =	simm.s32 @!p1 $0x3  }
0x15: {  	s16 =	sadd.s32 $0x1, s12;
	_ =	swait.ge @!p1 [sflag:s14], $0x2000  }
0x16: {  	p0 =	por !p0, !p0;
	s13 =	smov.u32 s11;
	[sflag:s14] =	ssyncset.done @!p1 $0x0  }
0x17: {  	s12 =	smov.u32 s16;
	s11 =	smov.u32 s15;
	[sflag:s14] =	ssyncadd.s32 @!p1 $0xFFFFE000  }
.LBB2_1:
0x18: {  	p1 =	sge.u32 s12, s8  }
0x19: {  	s14 =	sxor.u32 @!p1 $0xFFFFFFFF, s12  }
0x1a: {  	s31 =	sadd.s32 $0xFFFFFFFF, s12;
	s15 =	sshrl.u32 @!p1 s11, $0x3;
	s14 =	sshll.u32 @!p1 s14, $0x6  }
0x1b: {  	s16 =	sand.u32 @!p1 $0x7, s11;
	s15 =	sadd.s32 @!p1 s4, s15;
	s14 =	sand.u32 @!p1 $0x40, s14  }
0x1c: {  	[tilespmem:s14], [sflag:$0x2] =	stream.linear.gather @!p1 [hbm4b:s15+s16], $0x40, $0x38;
	[tilespmem:$0x4080] =	vst v63  }
0x1d: {  	p1 =	sge.u32 s31, s8  }
.Ltmp2:
0x1e: {  	_ = 	snop;
	(pc) =	sbr.rel @p1 .LBB2_7-.Ltmp2, $1  }
0x1f: {  	_ =	sdelay $0x3  }
0x20: {  	s14 =	simm.s32 $0x1  }
0x21: {  	_ =	swait.ge [sflag:s7], $0x40;
	s14 =	simm.s32 @!p0 $0x0  }
0x22: {  	[sflag:s7] =	ssyncset.done $0x0;
	s16 =	sshll.u32 s14, $0x6  }
0x23: {  	[sflag:s7] =	ssyncadd.s32 $0xFFFFFFC0;
	s15 =	sadd.s32 $0x0, s16  }
0x24: {  	v0 =	vld.msk [tilespmem:s15+$0x0 ss:$0x1], $0xffff;
	_ =	sdelay $0x4  }
0x25: {  	v1 =	vshll.u32 v0, $0x7  }
0x26: {  	vm2 =	veq.s32 v0, $0x80000000;
	v0 =	vand.u32 $0xF80, v1  }
0x27: {  	v1 =	vand.u32 $0x7F000, v1;
	v0 =	vsel vm2, $0xFFFFFF80, v0  }
0x28: {  	v1 =	vsel vm2, $0xFFFFF000, v1;
	v2 =	vand.u32 $0xFFFFFC00, v0  }
0x29: {  	v0 =	vand.u32 $0x380, v0;
	v1 =	vadd.s32 v1, v2  }
0x2a: {  	v0 =	vor.u32 v0, v1  }
0x2b: {  	v0 =	vshrl.u32 v0, $0x3;
	_ =	sdelay $0x2  }
0x2c: {  	s14 =	sshll.u32 s14, $0xD  }
0x2d: {  	s14 =	sor.u32 $0x80, s14  }
0x2e: {  	[tilespmem:s14], [sflag:$0x1] =	stream.indirect_vreg.gather [hbm:s9], $0x80, v0, vm0, $0x38;
	[tilespmem:$0x4080] =	vst v63  }
0x2f: {  	s17 =	sadd.s32 $0x10, s16;
	s15 =	sadd.s32 $0x400, s14  }
0x30: {  	[tilespmem:s15], [sflag:$0x1] =	stream.indirect_vreg.gather [hbm:s9], $0x80, v0, vm1, $0x38;
	[tilespmem:$0x4080] =	vst v63  }
0x31: {  	s18 =	simm.s32 $0x80;
	v0 =	vld.msk [tilespmem:s17+$0x0 ss:$0x1], $0xffff;
	s17 =	smov.u32 s14  }
.LBB2_3:
0x32: {  	p1 =	sne.s32 s18, $0xC0;
	_ =	sdelay $0x4  }
0x33: {  	v1 =	vshll.u32 v0, $0x7  }
0x34: {  	vm2 =	veq.s32 v0, $0x80000000;
	v0 =	vand.u32 $0xF80, v1  }
0x35: {  	v1 =	vand.u32 $0x7F000, v1;
	v0 =	vsel vm2, $0xFFFFFF80, v0  }
0x36: {  	v1 =	vsel vm2, $0xFFFFF000, v1;
	v2 =	vand.u32 $0xFFFFFC00, v0  }
0x37: {  	v0 =	vand.u32 $0x380, v0;
	v1 =	vadd.s32 v1, v2  }
0x38: {  	v0 =	vor.u32 v0, v1  }
0x39: {  	v0 =	vshrl.u32 v0, $0x3;
	_ =	sdelay $0x3  }
.Ltmp3:
0x3a: {  	s19 =	sshra.s32 s18, $0x2;
	s17 =	sadd.s32 $0x800, s17;
	(pc) =	sbr.rel @p1 .LBB2_3-.Ltmp3, $4  }
0x3b: {  	[tilespmem:s17], [sflag:$0x1] =	stream.indirect_vreg.gather [hbm:s9], $0x80, v0, vm0, $0x38;
	[tilespmem:$0x4080] =	vst v63  }
0x3c: {  	s19 =	sadd.s32 s19, s16;
	s20 =	sadd.s32 $0x400, s17  }
0x3d: {  	[tilespmem:s20], [sflag:$0x1] =	stream.indirect_vreg.gather [hbm:s9], $0x80, v0, vm1, $0x38;
	[tilespmem:$0x4080] =	vst v63  }
0x3e: {  	s18 =	sadd.s32 $0x40, s18;
	v0 =	vld.msk [tilespmem:s19+$0x0 ss:$0x1], $0xffff  }
0x3f: {  	_ =	sdelay $0x3  }
0x40: {  	v1 =	vshll.u32 v0, $0x7  }
0x41: {  	vm2 =	veq.s32 v0, $0x80000000;
	v63 =	vand.u32 $0xF80, v1  }
0x42: {  	v1 =	vand.u32 $0x7F000, v1;
	v0 =	vsel vm2, $0xFFFFFF80, v63  }
0x43: {  	v1 =	vsel vm2, $0xFFFFF000, v1;
	v2 =	vand.u32 $0xFFFFFC00, v0  }
0x44: {  	v0 =	vand.u32 $0x380, v0;
	v1 =	vadd.s32 v1, v2  }
0x45: {  	v0 =	vor.u32 v0, v1  }
0x46: {  	v0 =	vshrl.u32 v0, $0x3;
	_ =	sdelay $0x3  }
0x47: {  	s16 =	sadd.s32 $0x800, s17  }
0x48: {  	[tilespmem:s16], [sflag:$0x1] =	stream.indirect_vreg.gather [hbm:s9], $0x80, v0, vm0, $0x38;
	[tilespmem:$0x4080] =	vst v63  }
0x49: {  	s16 =	sadd.s32 $0x400, s16  }
0x4a: {  	[tilespmem:s16], [sflag:$0x1] =	stream.indirect_vreg.gather [hbm:s9], $0x80, v0, vm1, $0x38;
	[tilespmem:$0x4080] =	vst v63  }
0x4b: {  	s13 =	sshll.u32 s13, $0x4;
	_ =	swait.ge [sflag:s6], $0x2000  }
0x4c: {  	s13 =	sadd.s32 s13, s3;
	[sflag:s6] =	ssyncset.done $0x0  }
0x4d: {  	s17 =	sadd.s32 $0x0, s13;
	s16 =	simm.s32 $0x80;
	[sflag:s6] =	ssyncadd.s32 $0xFFFFE000  }
.LBB2_5:
0x4e: {  	[hbm:s17] =	stream.linear.scatter [tilespmem:s14], [sflag:$0x3], $0x400, $0x38;
	[tilespmem:$0x4080] =	vst v63  }
0x4f: {  	s17 =	smov.u32 s16;
	s14 =	smov.u32 s15;
	p1 =	sne.s32 s16, $0x380  }
.Ltmp4:
0x50: {  	s16 =	sadd.s32 $0x80, s16;
	(pc) =	sbr.rel @p1 .LBB2_5-.Ltmp4, $2  }
0x51: {  	_ =	sdelay $0x2  }
0x52: {  	s15 =	sadd.s32 $0x400, s15;
	s17 =	sadd.s32 s17, s13  }
.Ltmp5:
0x53: {  	_ = 	snop;
	(pc) =	sbr.rel .LBB2_6-.Ltmp5, $1  }
0x54: {  	_ =	sdelay $0x3  }
.LBB2_8:
0x55: {  	_ =	sfence.sel $0x180000  }
0x56: {  	s2 =	simm.s32 $0x2;
	[bflag:$0x0] =	sbarrier.arrive $0xFFFF  }
0x57: {  	s30 =	simm.s32 $0x3;
	[sflag:s2] =	ssyncpa.u1 $0x1  }
0x58: {  	s31 =	simm.s32 $0x1;
	[sflag:s30] =	ssyncpa.u1 $0x1  }
0x59: {  	[sflag:s31] =	ssyncpa.u1 $0x1  }
0x5a: {  	p0 =	sne.s32 s0, $0x0;
	_ =	strace $0x90000056  }
0x5b: {  	s0 =	sadd.s32 @!p0 $0x100000, s1;
	[bflag:$0x2] =	sbarrier.arrive $0xFFFF  }
0x5c: {  	[sflag:s0] =	ssyncadd.tile.s32 @!p0 $0x1;
	_ =	shalt  }
.Lfunc_end2:
_tile_overlayer_lowered:
.L_overlay_start_2:
0x5d: {  	(tag) =	ssettag $0x2  }
0x5e: {  	s0 =	rddreg [dreg:$0x0];
	s2 =	stileid.u32  }
0x5f: {  	s1 =	rddreg [dreg:$0x1];
	p0 =	sne.s32 s2, $0x0  }
0x60: {  	s3 =	rddreg [dreg:$0x2];
	[bflag:$0x3] =	sbarrier.arrive $0xFFFF;
	s2 =	simm.s32 @!p0 $0x1C01  }
0x61: {  	[timem:s3], [sflag:s2] =	dma.local @!p0 [hbm:s0], s1  }
0x62: {  	s0 =	simm.s32 @!p0 $0x1  }
0x63: {  	_ =	swait.ge @!p0 [sflag:s0], s1  }
0x64: {  	s1 =	ssub.s32 @!p0 $0x0, s1;
	[sflag:s0] =	ssyncset.done @!p0 $0x0  }
0x65: {  	[sflag:s0] =	ssyncadd.s32 @!p0 s1  }
0x66: {  	[bflag:$0x3] =	sbarrier.arrive $0xFFFF  }
0x67: {  	_ =	shalt  }

// kernel: gather_offload_async_start.4
scs
__scs_entry_jumppad:
0x0: {  	(pc) =	sbr.rel $0x88, $3  }
0x1: {  	(tag) =	ssettag $0x0;
	lr =	simm.s32 $0x1  }
0x2: {  	[smem:$0x3F9B] =	sst lr;
	_ =	strace $0xD0000000  }
0x3: {  	_ = 	snop  }
0x4: {  	_ = 	snop  }
0x5: {  	_ = 	snop  }
0x6: {  	_ = 	snop  }
0x7: {  	_ = 	snop  }
__scs_overlays_trampoline_lowered:
0x8: {  	[smem:$0x3FAA] =	sst s0  }
0x9: {  	[smem:$0x3FAB] =	sst s1  }
0xa: {  	[smem:$0x3FAC] =	sst s2  }
0xb: {  	[smem:$0x3FAD] =	sst s3  }
0xc: {  	[smem:$0x3FAE] =	sst s4  }
0xd: {  	[smem:$0x3FAF] =	sst s5  }
0xe: {  	[smem:$0x3FB0] =	sst s6  }
0xf: {  	[smem:$0x3FB1] =	sst s7  }
0x10: {  	[smem:$0x3FB2] =	sst s8  }
0x11: {  	[smem:$0x3FB3] =	sst s9;
	s0 =	simm.s32 @!p0 $0x0  }
0x12: {  	s1 =	sld [smem:$0x3F99];
	s0 =	simm.s32 @p0 $0x1  }
0x13: {  	[smem:$0x3FB4] =	sst s0;
	s0 =	simm.s32 @!p1 $0x0  }
0x14: {  	s2 =	sld [smem:$0x3F98];
	s0 =	simm.s32 @p1 $0x1  }
0x15: {  	[smem:$0x3FB5] =	sst s0;
	s0 =	simm.s32 @!p2 $0x0  }
0x16: {  	s3 =	sld [smem:$0x3FDB];
	s0 =	simm.s32 @p2 $0x1  }
0x17: {  	s4 =	simm.s32 $0x1BF5;
	[smem:$0x3FB7] =	sst s0  }
0x18: {  	s0 =	sld [smem:$0x3F9A];
	_ =	swait.ge [sflag:s4], $0x0  }
0x19: {  	s7 =	sld [smem:$0x3F9B]  }
0x1a: {  	s8 =	sadd.s32 $0xFFFFE003, lr  }
0x1b: {  	s9 =	sadd.s32 $0xFFFFFEF7, lr;
	s5 =	simm.s32 $0xFFFFFFFF;
	p2 =	slt.u32 s8, $0xFFFFF086  }
0x1c: {  	p1 =	slt.u32 s9, $0xF7A;
	s5 =	simm.s32 @!p2 $0x0  }
0x1d: {  	s5 =	simm.s32 @p1 $0x1;
	p0 =	seq.s32 s7, s2  }
0x1e: {  	s7 =	smul.u32 @!p0 $0xF7A, s2;
	p2 =	seq.s32 @!p0 s5, $0x0  }
0x1f: {  	s9 =	smul.u32 $0xF7A, s1;
	s8 =	simm.s32 @!p0 $0x1BF5;
	p2 =	por !p2, p0  }
0x20: {  	[sflag:s8] =	ssyncset.s32 @!p0 $0xFFFFF086;
	s6 =	sadd.s32 @!p0 s3, s7;
	s7 =	simm.s32 @!p0 $0x108  }
0x21: {  	s3 =	sadd.s32 s3, s9;
	s6 =	sadd.s32 @!p0 $0x88, s6;
	s7 =	simm.s32 @p2 $0x1082  }
0x22: {  	[simem:s7], [sflag:s8] =	dma.local @!p0 [hbm:s6], $0xF7A  }
0x23: {  	s9 =	sor.u32 $0xD0000000, s2;
	s6 =	simm.s32 $0x108;
	_ =	swait.ge @!p0 [sflag:s8], $0x0  }
0x24: {  	s3 =	sadd.s32 $0x88, s3;
	s6 =	simm.s32 @!p1 $0x1082;
	[sflag:s4] =	ssyncset.s32 $0xFFFFF086  }
0x25: {  	[simem:s6], [sflag:s4] =	dma.local [hbm:s3], $0xF7A  }
0x26: {  	[smem:$0x3F9B] =	sst s1;
	(tag) =	ssettag s2;
	_ =	strace s9  }
0x27: {  	s1 =	sld [smem:$0x3FAB]  }
0x28: {  	s2 =	sld [smem:$0x3FAC]  }
0x29: {  	s4 =	sld [smem:$0x3FAE]  }
0x2a: {  	p0 =	seq.s32 s5, $0x0;
	s5 =	sld [smem:$0x3FAF]  }
0x2b: {  	s6 =	sld [smem:$0x3FB0]  }
0x2c: {  	s7 =	sld [smem:$0x3FB1]  }
0x2d: {  	s3 =	simm.s32 $0x108;
	s8 =	sld [smem:$0x3FB2]  }
0x2e: {  	s3 =	simm.s32 @!p0 $0x1082;
	s9 =	sld [smem:$0x3FB3]  }
0x2f: {  	lr =	sadd.s32 s0, s3;
	s0 =	sld [smem:$0x3FAA]  }
0x30: {  	s3 =	sld [smem:$0x3FAD]  }
0x31: {  	[smem:$0x3FB6] =	sst s10  }
0x32: {  	s10 =	sld [smem:$0x3FB4];
	_ =	sdelay $0x3  }
0x33: {  	p0 =	seq.s32 s10, $0x1;
	s10 =	sld [smem:$0x3FB6];
	_ =	sdelay $0x3  }
0x34: {  	[smem:$0x3FB6] =	sst s10  }
0x35: {  	s10 =	sld [smem:$0x3FB5];
	_ =	sdelay $0x3  }
0x36: {  	p1 =	seq.s32 s10, $0x1;
	s10 =	sld [smem:$0x3FB6];
	_ =	sdelay $0x3  }
0x37: {  	[smem:$0x3FB6] =	sst s10  }
0x38: {  	s10 =	sld [smem:$0x3FB7]  }
0x39: {  	_ = 	snop;
	(pc) =	sbr.ind lr, $3  }
0x3a: {  	_ = 	snop  }
0x3b: {  	_ = 	snop  }
0x3c: {  	p2 =	seq.s32 s10, $0x1;
	s10 =	sld [smem:$0x3FB6]  }
0x3d: {  	_ =	shalt  }
0x3e: {  	_ =	shalt  }
0x3f: {  	_ =	shalt  }
0x40: {  	_ =	shalt  }
0x41: {  	_ =	shalt  }
0x42: {  	_ =	shalt  }
0x43: {  	_ =	shalt  }
0x44: {  	_ =	shalt  }
0x45: {  	_ =	shalt  }
0x46: {  	_ =	shalt  }
0x47: {  	_ =	shalt  }
0x48: {  	_ =	shalt  }
0x49: {  	_ =	shalt  }
0x4a: {  	_ =	shalt  }
0x4b: {  	_ =	shalt  }
0x4c: {  	_ =	shalt  }
0x4d: {  	_ =	shalt  }
0x4e: {  	_ =	shalt  }
0x4f: {  	_ =	shalt  }
0x50: {  	_ =	shalt  }
0x51: {  	_ =	shalt  }
0x52: {  	_ =	shalt  }
0x53: {  	_ =	shalt  }
0x54: {  	_ =	shalt  }
0x55: {  	_ =	shalt  }
0x56: {  	_ =	shalt  }
0x57: {  	_ =	shalt  }
0x58: {  	_ =	shalt  }
0x59: {  	_ =	shalt  }
0x5a: {  	_ =	shalt  }
0x5b: {  	_ =	shalt  }
0x5c: {  	_ =	shalt  }
0x5d: {  	_ =	shalt  }
0x5e: {  	_ =	shalt  }
0x5f: {  	_ =	shalt  }
0x60: {  	_ =	shalt  }
0x61: {  	_ =	shalt  }
0x62: {  	_ =	shalt  }
0x63: {  	_ =	shalt  }
0x64: {  	_ =	shalt  }
0x65: {  	_ =	shalt  }
0x66: {  	_ =	shalt  }
0x67: {  	_ =	shalt  }
0x68: {  	_ =	shalt  }
0x69: {  	_ =	shalt  }
0x6a: {  	_ =	shalt  }
0x6b: {  	_ =	shalt  }
0x6c: {  	_ =	shalt  }
0x6d: {  	_ =	shalt  }
0x6e: {  	_ =	shalt  }
0x6f: {  	_ =	shalt  }
0x70: {  	_ =	shalt  }
0x71: {  	_ =	shalt  }
0x72: {  	_ =	shalt  }
0x73: {  	_ =	shalt  }
0x74: {  	_ =	shalt  }
0x75: {  	_ =	shalt  }
0x76: {  	_ =	shalt  }
0x77: {  	_ =	shalt  }
0x78: {  	_ =	shalt  }
0x79: {  	_ =	shalt  }
0x7a: {  	_ =	shalt  }
0x7b: {  	_ =	shalt  }
0x7c: {  	_ =	shalt  }
0x7d: {  	_ =	shalt  }
0x7e: {  	_ =	shalt  }
0x7f: {  	_ =	shalt  }
0x80: {  	_ =	shalt  }
0x81: {  	_ =	shalt  }
0x82: {  	_ =	shalt  }
0x83: {  	_ =	shalt  }
0x84: {  	_ =	shalt  }
0x85: {  	_ =	shalt  }
0x86: {  	_ =	shalt  }
0x87: {  	_ =	shalt  }
.Lfunc_end0:
.L_simem_size_0:
called_computation.4_lowered:
.L_overlay_start_0:
0x88: {  	s2 =	sld [smem:$0x3FD9]  }
0x89: {  	s3 =	sld [smem:$0x3FFE];
	_ =	sdelay $0x1  }
0x8a: {  	s1 =	srdreg.scid  }
0x8b: {  	s0 =	sand.u32 $0x1, s1  }
0x8c: {  	s14 =	sshll.u32 s0, $0xA;
	s2 =	sadd.s32 s3, s2  }
0x8d: {  	s2 =	sadd.s32 s2, s14  }
0x8e: {  	[smem:$0x3FC2] =	sst s2  }
0x8f: {  	_ = 	snop  }
0x90: {  	s2 =	sld [smem:$0x3FD0];
	_ =	sdelay $0x2  }
0x91: {  	s15 =	simm.s32 $0xB;
	s4 =	simm.s32 $0x10  }
0x92: {  	[smem:s4], [sflag:s15] =	dma.local [hbm:s2], $0x1  }
0x93: {  	_ =	swait.eq [sflag:s15], $0x1  }
0x94: {  	[sflag:s15] =	ssyncset.done $0x0  }
0x95: {  	[sflag:s15] =	ssyncadd.s32 $0xFFFFFFFF  }
0x96: {  	s16 =	sld [smem:$0x12];
	(tm) =	ssettm $0x1  }
0x97: {  	s17 =	sld [smem:$0x3FFB];
	_ =	sdelay $0x3  }
0x98: {  	_ =	strace s17  }
0x99: {  	s3 =	sld [smem:$0x3FFC];
	_ =	sdelay $0x3  }
0x9a: {  	_ =	strace s3  }
0x9b: {  	s3 =	sld [smem:$0x3FFD];
	_ =	sdelay $0x3  }
0x9c: {  	_ =	strace s3  }
0x9d: {  	_ =	strace $0x8FFFFFFF  }
0x9e: {  	s18 =	sld [smem:$0x3FDB];
	_ =	sdelay $0x1  }
0x9f: {  	s19 =	simm.s32 $_scs_section_size  }
0xa0: {  	s5 =	simm.s32 $_size__tile_overlayer_lowered;
	s6 =	simm.s32 $_tile_overlayer_lowered  }
0xa1: {  	s22 =	simm.s32 $0x1BFF;
	s21 =	sshll.u32 s6, $0x1;
	s3 =	sadd.s32 s19, s18  }
0xa2: {  	s7 =	simm.s32 $0x0;
	s20 =	sshll.u32 s5, $0x1;
	s5 =	sadd.s32 s21, s3  }
0xa3: {  	[timem:s7], [sflag:s22] =	dma.local [hbm:s5], s20  }
0xa4: {  	_ =	swait.ge [sflag:s22], s20  }
0xa5: {  	s4 =	ssub.s32 $0x0, s20;
	[sflag:s22] =	ssyncset.done $0x0  }
0xa6: {  	[sflag:s22] =	ssyncadd.s32 s4;
	_ =	sdelay $0x1  }
0xa7: {  	s23 =	simm.s32 $0x1B8B  }
0xa8: {  	_ =	swait.ge [sflag:s23], $0x1  }
0xa9: {  	[sflag:s23] =	ssyncset.done $0x0  }
0xaa: {  	s25 =	simm.s32 $0x1B8E;
	s24 =	sld [smem:$0x3FFE];
	[sflag:s23] =	ssyncadd.s32 $0xFFFFFFFF  }
0xab: {  	s26 =	simm.s32 $execute0_lowered;
	[smem:$0x3FD2] =	sst s25  }
0xac: {  	s5 =	sshll.u32 s26, $0x1;
	_ =	strace $0x80000046;
	[dreg:$0x1] =	wrdreg $0xFFFFFFFF  }
0xad: {  	s28 =	simm.s32 $_size_execute0_lowered;
	s3 =	sadd.s32 s3, s5;
	[dreg:$0x0] =	wrdreg $0x0  }
0xae: {  	s5 =	sshll.u32 s28, $0x1;
	[dreg:$0x2] =	wrdreg s3  }
0xaf: {  	[dreg:$0x3] =	wrdreg s5  }
0xb0: {  	[dreg:$0x4] =	wrdreg $0xC0  }
0xb1: {  	_ =	task [dreg:s7], $0x5FFFF  }
0xb2: {  	[dreg:$0x1] =	wrdreg $0xFFFFFFFF  }
0xb3: {  	[dreg:$0x0] =	wrdreg $0x60  }
0xb4: {  	[dreg:$0x2] =	wrdreg s24  }
0xb5: {  	[dreg:$0x3] =	wrdreg s16  }
0xb6: {  	[dreg:$0x4] =	wrdreg $0x9  }
0xb7: {  	_ =	task.clear_ibuf [dreg:s7], $0x5FFFF;
	_ =	strace $0x90000046  }
0xb8: {  	s29 =	simm.s32 $0x9;
	_ =	strace $0x80000048  }
0xb9: {  	_ =	swait.ge [sflag:s29], $0x1  }
0xba: {  	[sflag:s29] =	ssyncadd.s32 $0xFFFFFFFF  }
0xbb: {  	_ =	strace $0x90000048  }
0xbc: {  	_ =	sfence  }
0xbd: {  	s30 =	sld [smem:$0x0];
	_ =	sdelay $0x2  }
0xbe: {  	s31 =	sshll.u32 s1, $0xD;
	s1 =	sshrl.u32 s1, $0x2  }
0xbf: {  	s3 =	sand.u32 $0x4000, s31;
	s1 =	sadd.s32 s1, s30  }
0xc0: {  	s0 =	sor.u32 s3, s0;
	s1 =	sshll.u32 s1, $0x11  }
0xc1: {  	s0 =	sor.u32 s1, s0  }
0xc2: {  	s0 =	sadd.s32 $0x8F2B, s0  }
0xc3: {  	[sflag:s0] =	ssyncadd.remote.s32 $0x1  }
0xc4: {  	_ =	sfence.sel $0xFFFF  }
0xc5: {  	[dreg:$0x0] =	wrdreg $0xFFFFFFFF;
	(pc) =	sbr.abs _section_cstart, $3  }
0xc6: {  	[dreg:$0x1] =	wrdreg $0xFFFFFFFF  }
0xc7: {  	_ =	task.clear_ibuf [dreg:s7], $0x2FFFF;
	_ =	strace $0x9FFFFFFF  }
0xc8: {  	(tm) =	ssettm $0x7FFFFFFF  }
0xc9: {  	_ =	shalt  }
tec
execute0_lowered:
.L_overlay_start_1:
0x0: {  	(tag) =	ssettag $0x1  }
0x1: {  	s0 =	srdreg.scid  }
0x2: {  	s1 =	sshll.u32 s0, $0x4  }
0x3: {  	s0 =	stileid.u32;
	s1 =	sand.u32 $0x10, s1  }
0x4: {  	s9 =	rddreg [dreg:$0x0];
	s1 =	sor.u32 s0, s1  }
0x5: {  	s3 =	rddreg [dreg:$0x1];
	s2 =	smin.u32 s1, $0x12  }
0x6: {  	p0 =	slt.u32 s1, $0x12;
	s2 =	sadd.s32 s1, s2;
	s1 =	simm.s32 $0x80  }
0x7: {  	s6 =	simm.s32 $0x1;
	s2 =	sshll.u32 s2, $0x6;
	s1 =	simm.s32 @!p0 $0x40  }
0x8: {  	s7 =	simm.s32 $0x2;
	s10 =	simm.s32 $0x3;
	s4 =	sadd.s32 s1, s2  }
0x9: {  	s13 =	simm.s32 $0x0;
	s12 =	simm.s32 $0x0;
	s4 =	smin.u32 s4, $0xC80  }
.Ltmp0:
0xa: {  	s5 =	sadd.s32 $0x200, s9;
	s8 =	ssub.s32 s4, s2;
	(pc) =	sbr.rel .LBB2_1-.Ltmp0, $4  }
0xb: {  	s1 =	rddreg [dreg:$0x2];
	_ =	strace $0x80000047;
	p0 =	sgt.s32 s8, $0x0  }
0xc: {  	s9 =	sadd.s32 $0x25A00, s9;
	[sflag:s6] =	ssyncpa.u1 $0x0;
	s8 =	simm.s32 @!p0 $0x0  }
0xd: {  	s11 =	smov.u32 s2;
	[sflag:s7] =	ssyncpa.u1 $0x0;
	s8 =	sshrl.u32 s8, $0x6  }
0xe: {  	vm0 =	vmmov $0xff;
	vm1 =	vcmask $0x3F20;
	[sflag:s10] =	ssyncpa.u1 $0x0;
	p0 =	por $0x0, $0x0;
	s10 =	sadd.s32 $0x1, s8  }
.LBB2_6:
0xf: {  	[hbm:s17] =	stream.linear.scatter [tilespmem:s14], [sflag:$0x3], $0x400, $0x38;
	[tilespmem:$0x4080] =	vst v63  }
.LBB2_7:
0x10: {  	s13 =	sadd.s32 $0x40, s11  }
0x11: {  	s15 =	smov.u32 s2;
	p2 =	slt.s32 s13, s4  }
0x12: {  	s15 =	smov.u32 @p2 s13;
	p2 =	sne.s32 s12, s10  }
.Ltmp1:
0x13: {  	p1 =	slt.u32 s12, $0x2;
	(pc) =	sbr.rel @!p2 .LBB2_8-.Ltmp1, $4  }
0x14: {  	s14 =	simm.s32 @!p1 $0x3  }
0x15: {  	s16 =	sadd.s32 $0x1, s12;
	_ =	swait.ge @!p1 [sflag:s14], $0x2000  }
0x16: {  	p0 =	por !p0, !p0;
	s13 =	smov.u32 s11;
	[sflag:s14] =	ssyncset.done @!p1 $0x0  }
0x17: {  	s12 =	smov.u32 s16;
	s11 =	smov.u32 s15;
	[sflag:s14] =	ssyncadd.s32 @!p1 $0xFFFFE000  }
.LBB2_1:
0x18: {  	p1 =	sge.u32 s12, s8  }
0x19: {  	s14 =	sxor.u32 @!p1 $0xFFFFFFFF, s12  }
0x1a: {  	s31 =	sadd.s32 $0xFFFFFFFF, s12;
	s15 =	sshrl.u32 @!p1 s11, $0x3;
	s14 =	sshll.u32 @!p1 s14, $0x6  }
0x1b: {  	s16 =	sand.u32 @!p1 $0x7, s11;
	s15 =	sadd.s32 @!p1 s3, s15;
	s14 =	sand.u32 @!p1 $0x40, s14  }
0x1c: {  	[tilespmem:s14], [sflag:$0x2] =	stream.linear.gather @!p1 [hbm4b:s15+s16], $0x40, $0x38;
	[tilespmem:$0x4080] =	vst v63  }
0x1d: {  	p1 =	sge.u32 s31, s8  }
.Ltmp2:
0x1e: {  	_ = 	snop;
	(pc) =	sbr.rel @p1 .LBB2_7-.Ltmp2, $1  }
0x1f: {  	_ =	sdelay $0x3  }
0x20: {  	s14 =	simm.s32 $0x1  }
0x21: {  	_ =	swait.ge [sflag:s7], $0x40;
	s14 =	simm.s32 @!p0 $0x0  }
0x22: {  	[sflag:s7] =	ssyncset.done $0x0;
	s16 =	sshll.u32 s14, $0x6  }
0x23: {  	[sflag:s7] =	ssyncadd.s32 $0xFFFFFFC0;
	s15 =	sadd.s32 $0x0, s16  }
0x24: {  	v0 =	vld.msk [tilespmem:s15+$0x0 ss:$0x1], $0xffff;
	_ =	sdelay $0x4  }
0x25: {  	v1 =	vshll.u32 v0, $0x7  }
0x26: {  	vm2 =	veq.s32 v0, $0x80000000;
	v0 =	vand.u32 $0xF80, v1  }
0x27: {  	v1 =	vand.u32 $0x1FF000, v1;
	v0 =	vsel vm2, $0xFFFFFF80, v0  }
0x28: {  	v1 =	vsel vm2, $0xFFFFF000, v1;
	v2 =	vand.u32 $0xFFFFFC00, v0  }
0x29: {  	v0 =	vand.u32 $0x380, v0;
	v1 =	vadd.s32 v1, v2  }
0x2a: {  	v0 =	vor.u32 v0, v1  }
0x2b: {  	v0 =	vshrl.u32 v0, $0x3;
	_ =	sdelay $0x2  }
0x2c: {  	s14 =	sshll.u32 s14, $0xD  }
0x2d: {  	s14 =	sor.u32 $0x80, s14  }
0x2e: {  	[tilespmem:s14], [sflag:$0x1] =	stream.indirect_vreg.gather [hbm:s5], $0x80, v0, vm0, $0x38;
	[tilespmem:$0x4080] =	vst v63  }
0x2f: {  	s17 =	sadd.s32 $0x10, s16;
	s15 =	sadd.s32 $0x400, s14  }
0x30: {  	[tilespmem:s15], [sflag:$0x1] =	stream.indirect_vreg.gather [hbm:s5], $0x80, v0, vm1, $0x38;
	[tilespmem:$0x4080] =	vst v63  }
0x31: {  	s18 =	simm.s32 $0x80;
	v0 =	vld.msk [tilespmem:s17+$0x0 ss:$0x1], $0xffff;
	s17 =	smov.u32 s14  }
.LBB2_3:
0x32: {  	p1 =	sne.s32 s18, $0xC0;
	_ =	sdelay $0x4  }
0x33: {  	v1 =	vshll.u32 v0, $0x7  }
0x34: {  	vm2 =	veq.s32 v0, $0x80000000;
	v0 =	vand.u32 $0xF80, v1  }
0x35: {  	v1 =	vand.u32 $0x1FF000, v1;
	v0 =	vsel vm2, $0xFFFFFF80, v0  }
0x36: {  	v1 =	vsel vm2, $0xFFFFF000, v1;
	v2 =	vand.u32 $0xFFFFFC00, v0  }
0x37: {  	v0 =	vand.u32 $0x380, v0;
	v1 =	vadd.s32 v1, v2  }
0x38: {  	v0 =	vor.u32 v0, v1  }
0x39: {  	v0 =	vshrl.u32 v0, $0x3;
	_ =	sdelay $0x3  }
.Ltmp3:
0x3a: {  	s19 =	sshra.s32 s18, $0x2;
	s17 =	sadd.s32 $0x800, s17;
	(pc) =	sbr.rel @p1 .LBB2_3-.Ltmp3, $4  }
0x3b: {  	[tilespmem:s17], [sflag:$0x1] =	stream.indirect_vreg.gather [hbm:s5], $0x80, v0, vm0, $0x38;
	[tilespmem:$0x4080] =	vst v63  }
0x3c: {  	s19 =	sadd.s32 s19, s16;
	s20 =	sadd.s32 $0x400, s17  }
0x3d: {  	[tilespmem:s20], [sflag:$0x1] =	stream.indirect_vreg.gather [hbm:s5], $0x80, v0, vm1, $0x38;
	[tilespmem:$0x4080] =	vst v63  }
0x3e: {  	s18 =	sadd.s32 $0x40, s18;
	v0 =	vld.msk [tilespmem:s19+$0x0 ss:$0x1], $0xffff  }
0x3f: {  	_ =	sdelay $0x3  }
0x40: {  	v1 =	vshll.u32 v0, $0x7  }
0x41: {  	vm2 =	veq.s32 v0, $0x80000000;
	v63 =	vand.u32 $0xF80, v1  }
0x42: {  	v1 =	vand.u32 $0x1FF000, v1;
	v0 =	vsel vm2, $0xFFFFFF80, v63  }
0x43: {  	v1 =	vsel vm2, $0xFFFFF000, v1;
	v2 =	vand.u32 $0xFFFFFC00, v0  }
0x44: {  	v0 =	vand.u32 $0x380, v0;
	v1 =	vadd.s32 v1, v2  }
0x45: {  	v0 =	vor.u32 v0, v1  }
0x46: {  	v0 =	vshrl.u32 v0, $0x3;
	_ =	sdelay $0x3  }
0x47: {  	s16 =	sadd.s32 $0x800, s17  }
0x48: {  	[tilespmem:s16], [sflag:$0x1] =	stream.indirect_vreg.gather [hbm:s5], $0x80, v0, vm0, $0x38;
	[tilespmem:$0x4080] =	vst v63  }
0x49: {  	s16 =	sadd.s32 $0x400, s16  }
0x4a: {  	[tilespmem:s16], [sflag:$0x1] =	stream.indirect_vreg.gather [hbm:s5], $0x80, v0, vm1, $0x38;
	[tilespmem:$0x4080] =	vst v63  }
0x4b: {  	s13 =	sshll.u32 s13, $0x4;
	_ =	swait.ge [sflag:s6], $0x2000  }
0x4c: {  	s13 =	sadd.s32 s13, s9;
	[sflag:s6] =	ssyncset.done $0x0  }
0x4d: {  	s17 =	sadd.s32 $0x0, s13;
	s16 =	simm.s32 $0x80;
	[sflag:s6] =	ssyncadd.s32 $0xFFFFE000  }
.LBB2_5:
0x4e: {  	[hbm:s17] =	stream.linear.scatter [tilespmem:s14], [sflag:$0x3], $0x400, $0x38;
	[tilespmem:$0x4080] =	vst v63  }
0x4f: {  	s17 =	smov.u32 s16;
	s14 =	smov.u32 s15;
	p1 =	sne.s32 s16, $0x380  }
.Ltmp4:
0x50: {  	s16 =	sadd.s32 $0x80, s16;
	(pc) =	sbr.rel @p1 .LBB2_5-.Ltmp4, $2  }
0x51: {  	_ =	sdelay $0x2  }
0x52: {  	s15 =	sadd.s32 $0x400, s15;
	s17 =	sadd.s32 s17, s13  }
.Ltmp5:
0x53: {  	_ = 	snop;
	(pc) =	sbr.rel .LBB2_6-.Ltmp5, $1  }
0x54: {  	_ =	sdelay $0x3  }
.LBB2_8:
0x55: {  	_ =	sfence.sel $0x180000  }
0x56: {  	s2 =	simm.s32 $0x2;
	[bflag:$0x0] =	sbarrier.arrive $0xFFFF  }
0x57: {  	s30 =	simm.s32 $0x3;
	[sflag:s2] =	ssyncpa.u1 $0x1  }
0x58: {  	s31 =	simm.s32 $0x1;
	[sflag:s30] =	ssyncpa.u1 $0x1  }
0x59: {  	[sflag:s31] =	ssyncpa.u1 $0x1  }
0x5a: {  	p0 =	sne.s32 s0, $0x0;
	_ =	strace $0x90000047  }
0x5b: {  	s0 =	sadd.s32 @!p0 $0x100000, s1;
	[bflag:$0x2] =	sbarrier.arrive $0xFFFF  }
0x5c: {  	[sflag:s0] =	ssyncadd.tile.s32 @!p0 $0x1;
	_ =	shalt  }
.Lfunc_end2:
_tile_overlayer_lowered:
.L_overlay_start_2:
0x5d: {  	(tag) =	ssettag $0x2  }
0x5e: {  	s0 =	rddreg [dreg:$0x0];
	s2 =	stileid.u32  }
0x5f: {  	s1 =	rddreg [dreg:$0x1];
	p0 =	sne.s32 s2, $0x0  }
0x60: {  	s3 =	rddreg [dreg:$0x2];
	[bflag:$0x3] =	sbarrier.arrive $0xFFFF;
	s2 =	simm.s32 @!p0 $0x1C01  }
0x61: {  	[timem:s3], [sflag:s2] =	dma.local @!p0 [hbm:s0], s1  }
0x62: {  	s0 =	simm.s32 @!p0 $0x1  }
0x63: {  	_ =	swait.ge @!p0 [sflag:s0], s1  }
0x64: {  	s1 =	ssub.s32 @!p0 $0x0, s1;
	[sflag:s0] =	ssyncset.done @!p0 $0x0  }
0x65: {  	[sflag:s0] =	ssyncadd.s32 @!p0 s1  }
0x66: {  	[bflag:$0x3] =	sbarrier.arrive $0xFFFF  }
0x67: {  	_ =	shalt  }

// kernel: gather_offload_async_start.5
scs
__scs_entry_jumppad:
0x0: {  	(pc) =	sbr.rel $0x88, $3  }
0x1: {  	(tag) =	ssettag $0x0;
	lr =	simm.s32 $0x1  }
0x2: {  	[smem:$0x3F9B] =	sst lr;
	_ =	strace $0xD0000000  }
0x3: {  	_ = 	snop  }
0x4: {  	_ = 	snop  }
0x5: {  	_ = 	snop  }
0x6: {  	_ = 	snop  }
0x7: {  	_ = 	snop  }
__scs_overlays_trampoline_lowered:
0x8: {  	[smem:$0x3FAA] =	sst s0  }
0x9: {  	[smem:$0x3FAB] =	sst s1  }
0xa: {  	[smem:$0x3FAC] =	sst s2  }
0xb: {  	[smem:$0x3FAD] =	sst s3  }
0xc: {  	[smem:$0x3FAE] =	sst s4  }
0xd: {  	[smem:$0x3FAF] =	sst s5  }
0xe: {  	[smem:$0x3FB0] =	sst s6  }
0xf: {  	[smem:$0x3FB1] =	sst s7  }
0x10: {  	[smem:$0x3FB2] =	sst s8  }
0x11: {  	[smem:$0x3FB3] =	sst s9;
	s0 =	simm.s32 @!p0 $0x0  }
0x12: {  	s1 =	sld [smem:$0x3F99];
	s0 =	simm.s32 @p0 $0x1  }
0x13: {  	[smem:$0x3FB4] =	sst s0;
	s0 =	simm.s32 @!p1 $0x0  }
0x14: {  	s2 =	sld [smem:$0x3F98];
	s0 =	simm.s32 @p1 $0x1  }
0x15: {  	[smem:$0x3FB5] =	sst s0;
	s0 =	simm.s32 @!p2 $0x0  }
0x16: {  	s3 =	sld [smem:$0x3FDB];
	s0 =	simm.s32 @p2 $0x1  }
0x17: {  	s4 =	simm.s32 $0x1BF5;
	[smem:$0x3FB7] =	sst s0  }
0x18: {  	s0 =	sld [smem:$0x3F9A];
	_ =	swait.ge [sflag:s4], $0x0  }
0x19: {  	s7 =	sld [smem:$0x3F9B]  }
0x1a: {  	s8 =	sadd.s32 $0xFFFFE003, lr  }
0x1b: {  	s9 =	sadd.s32 $0xFFFFFEF7, lr;
	s5 =	simm.s32 $0xFFFFFFFF;
	p2 =	slt.u32 s8, $0xFFFFF086  }
0x1c: {  	p1 =	slt.u32 s9, $0xF7A;
	s5 =	simm.s32 @!p2 $0x0  }
0x1d: {  	s5 =	simm.s32 @p1 $0x1;
	p0 =	seq.s32 s7, s2  }
0x1e: {  	s7 =	smul.u32 @!p0 $0xF7A, s2;
	p2 =	seq.s32 @!p0 s5, $0x0  }
0x1f: {  	s9 =	smul.u32 $0xF7A, s1;
	s8 =	simm.s32 @!p0 $0x1BF5;
	p2 =	por !p2, p0  }
0x20: {  	[sflag:s8] =	ssyncset.s32 @!p0 $0xFFFFF086;
	s6 =	sadd.s32 @!p0 s3, s7;
	s7 =	simm.s32 @!p0 $0x108  }
0x21: {  	s3 =	sadd.s32 s3, s9;
	s6 =	sadd.s32 @!p0 $0x88, s6;
	s7 =	simm.s32 @p2 $0x1082  }
0x22: {  	[simem:s7], [sflag:s8] =	dma.local @!p0 [hbm:s6], $0xF7A  }
0x23: {  	s9 =	sor.u32 $0xD0000000, s2;
	s6 =	simm.s32 $0x108;
	_ =	swait.ge @!p0 [sflag:s8], $0x0  }
0x24: {  	s3 =	sadd.s32 $0x88, s3;
	s6 =	simm.s32 @!p1 $0x1082;
	[sflag:s4] =	ssyncset.s32 $0xFFFFF086  }
0x25: {  	[simem:s6], [sflag:s4] =	dma.local [hbm:s3], $0xF7A  }
0x26: {  	[smem:$0x3F9B] =	sst s1;
	(tag) =	ssettag s2;
	_ =	strace s9  }
0x27: {  	s1 =	sld [smem:$0x3FAB]  }
0x28: {  	s2 =	sld [smem:$0x3FAC]  }
0x29: {  	s4 =	sld [smem:$0x3FAE]  }
0x2a: {  	p0 =	seq.s32 s5, $0x0;
	s5 =	sld [smem:$0x3FAF]  }
0x2b: {  	s6 =	sld [smem:$0x3FB0]  }
0x2c: {  	s7 =	sld [smem:$0x3FB1]  }
0x2d: {  	s3 =	simm.s32 $0x108;
	s8 =	sld [smem:$0x3FB2]  }
0x2e: {  	s3 =	simm.s32 @!p0 $0x1082;
	s9 =	sld [smem:$0x3FB3]  }
0x2f: {  	lr =	sadd.s32 s0, s3;
	s0 =	sld [smem:$0x3FAA]  }
0x30: {  	s3 =	sld [smem:$0x3FAD]  }
0x31: {  	[smem:$0x3FB6] =	sst s10  }
0x32: {  	s10 =	sld [smem:$0x3FB4];
	_ =	sdelay $0x3  }
0x33: {  	p0 =	seq.s32 s10, $0x1;
	s10 =	sld [smem:$0x3FB6];
	_ =	sdelay $0x3  }
0x34: {  	[smem:$0x3FB6] =	sst s10  }
0x35: {  	s10 =	sld [smem:$0x3FB5];
	_ =	sdelay $0x3  }
0x36: {  	p1 =	seq.s32 s10, $0x1;
	s10 =	sld [smem:$0x3FB6];
	_ =	sdelay $0x3  }
0x37: {  	[smem:$0x3FB6] =	sst s10  }
0x38: {  	s10 =	sld [smem:$0x3FB7]  }
0x39: {  	_ = 	snop;
	(pc) =	sbr.ind lr, $3  }
0x3a: {  	_ = 	snop  }
0x3b: {  	_ = 	snop  }
0x3c: {  	p2 =	seq.s32 s10, $0x1;
	s10 =	sld [smem:$0x3FB6]  }
0x3d: {  	_ =	shalt  }
0x3e: {  	_ =	shalt  }
0x3f: {  	_ =	shalt  }
0x40: {  	_ =	shalt  }
0x41: {  	_ =	shalt  }
0x42: {  	_ =	shalt  }
0x43: {  	_ =	shalt  }
0x44: {  	_ =	shalt  }
0x45: {  	_ =	shalt  }
0x46: {  	_ =	shalt  }
0x47: {  	_ =	shalt  }
0x48: {  	_ =	shalt  }
0x49: {  	_ =	shalt  }
0x4a: {  	_ =	shalt  }
0x4b: {  	_ =	shalt  }
0x4c: {  	_ =	shalt  }
0x4d: {  	_ =	shalt  }
0x4e: {  	_ =	shalt  }
0x4f: {  	_ =	shalt  }
0x50: {  	_ =	shalt  }
0x51: {  	_ =	shalt  }
0x52: {  	_ =	shalt  }
0x53: {  	_ =	shalt  }
0x54: {  	_ =	shalt  }
0x55: {  	_ =	shalt  }
0x56: {  	_ =	shalt  }
0x57: {  	_ =	shalt  }
0x58: {  	_ =	shalt  }
0x59: {  	_ =	shalt  }
0x5a: {  	_ =	shalt  }
0x5b: {  	_ =	shalt  }
0x5c: {  	_ =	shalt  }
0x5d: {  	_ =	shalt  }
0x5e: {  	_ =	shalt  }
0x5f: {  	_ =	shalt  }
0x60: {  	_ =	shalt  }
0x61: {  	_ =	shalt  }
0x62: {  	_ =	shalt  }
0x63: {  	_ =	shalt  }
0x64: {  	_ =	shalt  }
0x65: {  	_ =	shalt  }
0x66: {  	_ =	shalt  }
0x67: {  	_ =	shalt  }
0x68: {  	_ =	shalt  }
0x69: {  	_ =	shalt  }
0x6a: {  	_ =	shalt  }
0x6b: {  	_ =	shalt  }
0x6c: {  	_ =	shalt  }
0x6d: {  	_ =	shalt  }
0x6e: {  	_ =	shalt  }
0x6f: {  	_ =	shalt  }
0x70: {  	_ =	shalt  }
0x71: {  	_ =	shalt  }
0x72: {  	_ =	shalt  }
0x73: {  	_ =	shalt  }
0x74: {  	_ =	shalt  }
0x75: {  	_ =	shalt  }
0x76: {  	_ =	shalt  }
0x77: {  	_ =	shalt  }
0x78: {  	_ =	shalt  }
0x79: {  	_ =	shalt  }
0x7a: {  	_ =	shalt  }
0x7b: {  	_ =	shalt  }
0x7c: {  	_ =	shalt  }
0x7d: {  	_ =	shalt  }
0x7e: {  	_ =	shalt  }
0x7f: {  	_ =	shalt  }
0x80: {  	_ =	shalt  }
0x81: {  	_ =	shalt  }
0x82: {  	_ =	shalt  }
0x83: {  	_ =	shalt  }
0x84: {  	_ =	shalt  }
0x85: {  	_ =	shalt  }
0x86: {  	_ =	shalt  }
0x87: {  	_ =	shalt  }
.Lfunc_end0:
.L_simem_size_0:
called_computation.5_lowered:
.L_overlay_start_0:
0x88: {  	s2 =	sld [smem:$0x3FD9]  }
0x89: {  	s3 =	sld [smem:$0x3FFE];
	_ =	sdelay $0x1  }
0x8a: {  	s1 =	srdreg.scid  }
0x8b: {  	s0 =	sand.u32 $0x1, s1  }
0x8c: {  	s15 =	sshll.u32 s0, $0xA;
	s2 =	sadd.s32 s3, s2  }
0x8d: {  	s2 =	sadd.s32 s2, s15  }
0x8e: {  	[smem:$0x3FC2] =	sst s2  }
0x8f: {  	_ = 	snop  }
0x90: {  	s2 =	sld [smem:$0x3FD0];
	_ =	sdelay $0x2  }
0x91: {  	s4 =	simm.s32 $0xB;
	s16 =	simm.s32 $0x10  }
0x92: {  	[smem:s16], [sflag:s4] =	dma.local [hbm:s2], $0x1  }
0x93: {  	_ =	swait.eq [sflag:s4], $0x1  }
0x94: {  	[sflag:s4] =	ssyncset.done $0x0  }
0x95: {  	s17 =	sld [smem:$0x10];
	[sflag:s4] =	ssyncadd.s32 $0xFFFFFFFF  }
0x96: {  	s18 =	sld [smem:$0x12];
	(tm) =	ssettm $0x1  }
0x97: {  	s19 =	sld [smem:$0x3FFB];
	_ =	sdelay $0x3  }
0x98: {  	_ =	strace s19  }
0x99: {  	s2 =	sld [smem:$0x3FFC];
	_ =	sdelay $0x3  }
0x9a: {  	_ =	strace s2  }
0x9b: {  	s2 =	sld [smem:$0x3FFD];
	_ =	sdelay $0x3  }
0x9c: {  	_ =	strace s2  }
0x9d: {  	_ =	strace $0x8FFFFFFF  }
0x9e: {  	s20 =	sld [smem:$0x3FDB];
	_ =	sdelay $0x1  }
0x9f: {  	s5 =	simm.s32 $_scs_section_size  }
0xa0: {  	s6 =	simm.s32 $_size__tile_overlayer_lowered;
	s7 =	simm.s32 $_tile_overlayer_lowered  }
0xa1: {  	s8 =	simm.s32 $0x1BFF;
	s21 =	sshll.u32 s7, $0x1;
	s5 =	sadd.s32 s5, s20  }
0xa2: {  	s22 =	simm.s32 $0x0;
	s6 =	sshll.u32 s6, $0x1;
	s7 =	sadd.s32 s21, s5  }
0xa3: {  	[timem:s22], [sflag:s8] =	dma.local [hbm:s7], s6  }
0xa4: {  	_ =	swait.ge [sflag:s8], s6  }
0xa5: {  	s6 =	ssub.s32 $0x0, s6;
	[sflag:s8] =	ssyncset.done $0x0  }
0xa6: {  	[sflag:s8] =	ssyncadd.s32 s6;
	_ =	sdelay $0x1  }
0xa7: {  	s23 =	simm.s32 $0x1B8B  }
0xa8: {  	_ =	swait.ge [sflag:s23], $0x1  }
0xa9: {  	[sflag:s23] =	ssyncset.done $0x0  }
0xaa: {  	[sflag:s23] =	ssyncadd.s32 $0xFFFFFFFF  }
0xab: {  	s6 =	sld [smem:$0x0]  }
0xac: {  	s7 =	sand.u32 $0xFFFFFFFE, s1  }
0xad: {  	p0 =	sne.s32 s1, s7  }
0xae: {  	s7 =	sshll.u32 @p0 s7, $0xE  }
0xaf: {  	s7 =	sadd.s32 @p0 $0x11B8D, s7;
	s8 =	sshll.u32 @p0 s6, $0x11  }
0xb0: {  	s7 =	sor.u32 @p0 s8, s7  }
0xb1: {  	[sflag:s7] =	ssyncadd.remote.s32 @p0 $0x1;
	_ =	sdelay $0x1  }
0xb2: {  	s7 =	simm.s32 @p0 $0x1B8D  }
0xb3: {  	_ =	swait.eq @p0 [sflag:s7], $0x1  }
0xb4: {  	[sflag:s7] =	ssyncadd.s32 @p0 $0xFFFFFFFF  }
0xb5: {  	s8 =	sshll.u32 @!p0 s1, $0xE  }
0xb6: {  	s8 =	sor.u32 @!p0 $0x4000, s8;
	s7 =	simm.s32 @!p0 $0x1B8D  }
0xb7: {  	s6 =	sshll.u32 @!p0 s6, $0x11;
	s8 =	sadd.s32 @!p0 $0x11B8D, s8;
	_ =	swait.eq @!p0 [sflag:s7], $0x1  }
0xb8: {  	s6 =	sor.u32 @!p0 s6, s8;
	[sflag:s7] =	ssyncadd.s32 @!p0 $0xFFFFFFFF  }
0xb9: {  	s25 =	simm.s32 $0x1B8E;
	s24 =	sld [smem:$0x3FFE];
	[sflag:s6] =	ssyncadd.remote.s32 @!p0 $0x1  }
0xba: {  	s26 =	simm.s32 $execute0_lowered;
	[smem:$0x3FD2] =	sst s25  }
0xbb: {  	s7 =	sshll.u32 s26, $0x1;
	_ =	strace $0x80000049;
	[dreg:$0x1] =	wrdreg $0xFFFFFFFF  }
0xbc: {  	s28 =	simm.s32 $_size_execute0_lowered;
	s5 =	sadd.s32 s5, s7;
	[dreg:$0x0] =	wrdreg $0x0  }
0xbd: {  	s7 =	sshll.u32 s28, $0x1;
	[dreg:$0x2] =	wrdreg s5  }
0xbe: {  	[dreg:$0x3] =	wrdreg s7  }
0xbf: {  	[dreg:$0x4] =	wrdreg $0xC0  }
0xc0: {  	_ =	task [dreg:s22], $0x5FFFF  }
0xc1: {  	[dreg:$0x1] =	wrdreg $0xFFFFFFFF  }
0xc2: {  	[dreg:$0x0] =	wrdreg $0x60  }
0xc3: {  	[dreg:$0x2] =	wrdreg s24  }
0xc4: {  	[dreg:$0x3] =	wrdreg s18  }
0xc5: {  	[dreg:$0x4] =	wrdreg s17  }
0xc6: {  	[dreg:$0x5] =	wrdreg $0xA  }
0xc7: {  	_ =	task.clear_ibuf [dreg:s22], $0x6FFFF;
	_ =	strace $0x90000049  }
0xc8: {  	s29 =	simm.s32 $0xA;
	_ =	strace $0x8000004B  }
0xc9: {  	_ =	swait.ge [sflag:s29], $0x1  }
0xca: {  	[sflag:s29] =	ssyncadd.s32 $0xFFFFFFFF  }
0xcb: {  	_ =	strace $0x9000004B  }
0xcc: {  	_ =	sfence  }
0xcd: {  	s30 =	sld [smem:$0x0];
	_ =	sdelay $0x2  }
0xce: {  	s31 =	sshll.u32 s1, $0xD;
	s1 =	sshrl.u32 s1, $0x2  }
0xcf: {  	s4 =	sand.u32 $0x4000, s31;
	s1 =	sadd.s32 s1, s30  }
0xd0: {  	s0 =	sor.u32 s4, s0;
	s1 =	sshll.u32 s1, $0x11  }
0xd1: {  	s0 =	sor.u32 s1, s0  }
0xd2: {  	s0 =	sadd.s32 $0x8F2B, s0  }
0xd3: {  	[sflag:s0] =	ssyncadd.remote.s32 $0x1  }
0xd4: {  	_ =	sfence.sel $0xFFFF  }
0xd5: {  	[dreg:$0x0] =	wrdreg $0xFFFFFFFF;
	(pc) =	sbr.abs _section_cstart, $3  }
0xd6: {  	[dreg:$0x1] =	wrdreg $0xFFFFFFFF  }
0xd7: {  	_ =	task.clear_ibuf [dreg:s22], $0x2FFFF;
	_ =	strace $0x9FFFFFFF  }
0xd8: {  	(tm) =	ssettm $0x7FFFFFFF  }
0xd9: {  	_ =	shalt  }
tec
execute0_lowered:
.L_overlay_start_1:
0x0: {  	(tag) =	ssettag $0x1  }
0x1: {  	s0 =	srdreg.scid  }
0x2: {  	s1 =	sshll.u32 s0, $0x4  }
0x3: {  	s0 =	stileid.u32;
	s1 =	sand.u32 $0x10, s1  }
0x4: {  	s9 =	rddreg [dreg:$0x0];
	s1 =	sor.u32 s0, s1  }
0x5: {  	s3 =	rddreg [dreg:$0x1];
	s2 =	smin.u32 s1, $0x12  }
0x6: {  	p0 =	slt.u32 s1, $0x12;
	s2 =	sadd.s32 s1, s2;
	s1 =	simm.s32 $0x80  }
0x7: {  	s4 =	rddreg [dreg:$0x2];
	s2 =	sshll.u32 s2, $0x6;
	s1 =	simm.s32 @!p0 $0x40  }
0x8: {  	s6 =	simm.s32 $0x1;
	s7 =	simm.s32 $0x2;
	s1 =	sadd.s32 s1, s2  }
0x9: {  	s10 =	simm.s32 $0x3;
	s13 =	simm.s32 $0x0;
	s5 =	smin.u32 s1, $0xC80  }
.Ltmp0:
0xa: {  	s12 =	simm.s32 $0x0;
	s8 =	ssub.s32 s5, s2;
	(pc) =	sbr.rel .LBB2_1-.Ltmp0, $4  }
0xb: {  	s1 =	rddreg [dreg:$0x3];
	_ =	strace $0x8000004A;
	p0 =	sgt.s32 s8, $0x0  }
0xc: {  	s9 =	sadd.s32 $0x32200, s9;
	[sflag:s6] =	ssyncpa.u1 $0x0;
	s8 =	simm.s32 @!p0 $0x0  }
0xd: {  	s11 =	smov.u32 s2;
	[sflag:s7] =	ssyncpa.u1 $0x0;
	s8 =	sshrl.u32 s8, $0x6  }
0xe: {  	vm0 =	vmmov $0xff;
	vm1 =	vcmask $0x3F20;
	[sflag:s10] =	ssyncpa.u1 $0x0;
	p0 =	por $0x0, $0x0;
	s10 =	sadd.s32 $0x1, s8  }
.LBB2_6:
0xf: {  	[hbm:s17] =	stream.linear.scatter [tilespmem:s14], [sflag:$0x3], $0x400, $0x38;
	[tilespmem:$0x4080] =	vst v63  }
.LBB2_7:
0x10: {  	s13 =	sadd.s32 $0x40, s11  }
0x11: {  	s15 =	smov.u32 s2;
	p2 =	slt.s32 s13, s5  }
0x12: {  	s15 =	smov.u32 @p2 s13;
	p2 =	sne.s32 s12, s10  }
.Ltmp1:
0x13: {  	p1 =	slt.u32 s12, $0x2;
	(pc) =	sbr.rel @!p2 .LBB2_8-.Ltmp1, $4  }
0x14: {  	s14 =	simm.s32 @!p1 $0x3  }
0x15: {  	s16 =	sadd.s32 $0x1, s12;
	_ =	swait.ge @!p1 [sflag:s14], $0x2000  }
0x16: {  	p0 =	por !p0, !p0;
	s13 =	smov.u32 s11;
	[sflag:s14] =	ssyncset.done @!p1 $0x0  }
0x17: {  	s12 =	smov.u32 s16;
	s11 =	smov.u32 s15;
	[sflag:s14] =	ssyncadd.s32 @!p1 $0xFFFFE000  }
.LBB2_1:
0x18: {  	p1 =	sge.u32 s12, s8  }
0x19: {  	s14 =	sxor.u32 @!p1 $0xFFFFFFFF, s12  }
0x1a: {  	s31 =	sadd.s32 $0xFFFFFFFF, s12;
	s15 =	sshrl.u32 @!p1 s11, $0x3;
	s14 =	sshll.u32 @!p1 s14, $0x6  }
0x1b: {  	s16 =	sand.u32 @!p1 $0x7, s11;
	s15 =	sadd.s32 @!p1 s3, s15;
	s14 =	sand.u32 @!p1 $0x40, s14  }
0x1c: {  	[tilespmem:s14], [sflag:$0x2] =	stream.linear.gather @!p1 [hbm4b:s15+s16], $0x40, $0x38;
	[tilespmem:$0x4080] =	vst v63  }
0x1d: {  	p1 =	sge.u32 s31, s8  }
.Ltmp2:
0x1e: {  	_ = 	snop;
	(pc) =	sbr.rel @p1 .LBB2_7-.Ltmp2, $1  }
0x1f: {  	_ =	sdelay $0x3  }
0x20: {  	s14 =	simm.s32 $0x1  }
0x21: {  	_ =	swait.ge [sflag:s7], $0x40;
	s14 =	simm.s32 @!p0 $0x0  }
0x22: {  	[sflag:s7] =	ssyncset.done $0x0;
	s16 =	sshll.u32 s14, $0x6  }
0x23: {  	[sflag:s7] =	ssyncadd.s32 $0xFFFFFFC0;
	s15 =	sadd.s32 $0x0, s16  }
0x24: {  	v0 =	vld.msk [tilespmem:s15+$0x0 ss:$0x1], $0xffff;
	_ =	sdelay $0x4  }
0x25: {  	v1 =	vshll.u32 v0, $0x7  }
0x26: {  	vm2 =	veq.s32 v0, $0x80000000;
	v0 =	vand.u32 $0xF80, v1  }
0x27: {  	v1 =	vand.u32 $0x1FF000, v1;
	v0 =	vsel vm2, $0xFFFFFF80, v0  }
0x28: {  	v1 =	vsel vm2, $0xFFFFF000, v1;
	v2 =	vand.u32 $0xFFFFFC00, v0  }
0x29: {  	v0 =	vand.u32 $0x380, v0;
	v1 =	vadd.s32 v1, v2  }
0x2a: {  	v0 =	vor.u32 v0, v1  }
0x2b: {  	v0 =	vshrl.u32 v0, $0x3;
	_ =	sdelay $0x2  }
0x2c: {  	s14 =	sshll.u32 s14, $0xD  }
0x2d: {  	s14 =	sor.u32 $0x80, s14  }
0x2e: {  	[tilespmem:s14], [sflag:$0x1] =	stream.indirect_vreg.gather [hbm:s9], $0x80, v0, vm0, $0x38;
	[tilespmem:$0x4080] =	vst v63  }
0x2f: {  	s17 =	sadd.s32 $0x10, s16;
	s15 =	sadd.s32 $0x400, s14  }
0x30: {  	[tilespmem:s15], [sflag:$0x1] =	stream.indirect_vreg.gather [hbm:s9], $0x80, v0, vm1, $0x38;
	[tilespmem:$0x4080] =	vst v63  }
0x31: {  	s18 =	simm.s32 $0x80;
	v0 =	vld.msk [tilespmem:s17+$0x0 ss:$0x1], $0xffff;
	s17 =	smov.u32 s14  }
.LBB2_3:
0x32: {  	p1 =	sne.s32 s18, $0xC0;
	_ =	sdelay $0x4  }
0x33: {  	v1 =	vshll.u32 v0, $0x7  }
0x34: {  	vm2 =	veq.s32 v0, $0x80000000;
	v0 =	vand.u32 $0xF80, v1  }
0x35: {  	v1 =	vand.u32 $0x1FF000, v1;
	v0 =	vsel vm2, $0xFFFFFF80, v0  }
0x36: {  	v1 =	vsel vm2, $0xFFFFF000, v1;
	v2 =	vand.u32 $0xFFFFFC00, v0  }
0x37: {  	v0 =	vand.u32 $0x380, v0;
	v1 =	vadd.s32 v1, v2  }
0x38: {  	v0 =	vor.u32 v0, v1  }
0x39: {  	v0 =	vshrl.u32 v0, $0x3;
	_ =	sdelay $0x3  }
.Ltmp3:
0x3a: {  	s19 =	sshra.s32 s18, $0x2;
	s17 =	sadd.s32 $0x800, s17;
	(pc) =	sbr.rel @p1 .LBB2_3-.Ltmp3, $4  }
0x3b: {  	[tilespmem:s17], [sflag:$0x1] =	stream.indirect_vreg.gather [hbm:s9], $0x80, v0, vm0, $0x38;
	[tilespmem:$0x4080] =	vst v63  }
0x3c: {  	s19 =	sadd.s32 s19, s16;
	s20 =	sadd.s32 $0x400, s17  }
0x3d: {  	[tilespmem:s20], [sflag:$0x1] =	stream.indirect_vreg.gather [hbm:s9], $0x80, v0, vm1, $0x38;
	[tilespmem:$0x4080] =	vst v63  }
0x3e: {  	s18 =	sadd.s32 $0x40, s18;
	v0 =	vld.msk [tilespmem:s19+$0x0 ss:$0x1], $0xffff  }
0x3f: {  	_ =	sdelay $0x3  }
0x40: {  	v1 =	vshll.u32 v0, $0x7  }
0x41: {  	vm2 =	veq.s32 v0, $0x80000000;
	v63 =	vand.u32 $0xF80, v1  }
0x42: {  	v1 =	vand.u32 $0x1FF000, v1;
	v0 =	vsel vm2, $0xFFFFFF80, v63  }
0x43: {  	v1 =	vsel vm2, $0xFFFFF000, v1;
	v2 =	vand.u32 $0xFFFFFC00, v0  }
0x44: {  	v0 =	vand.u32 $0x380, v0;
	v1 =	vadd.s32 v1, v2  }
0x45: {  	v0 =	vor.u32 v0, v1  }
0x46: {  	v0 =	vshrl.u32 v0, $0x3;
	_ =	sdelay $0x3  }
0x47: {  	s16 =	sadd.s32 $0x800, s17  }
0x48: {  	[tilespmem:s16], [sflag:$0x1] =	stream.indirect_vreg.gather [hbm:s9], $0x80, v0, vm0, $0x38;
	[tilespmem:$0x4080] =	vst v63  }
0x49: {  	s16 =	sadd.s32 $0x400, s16  }
0x4a: {  	[tilespmem:s16], [sflag:$0x1] =	stream.indirect_vreg.gather [hbm:s9], $0x80, v0, vm1, $0x38;
	[tilespmem:$0x4080] =	vst v63  }
0x4b: {  	s13 =	sshll.u32 s13, $0x4;
	_ =	swait.ge [sflag:s6], $0x2000  }
0x4c: {  	s13 =	sadd.s32 s13, s4;
	[sflag:s6] =	ssyncset.done $0x0  }
0x4d: {  	s17 =	sadd.s32 $0x0, s13;
	s16 =	simm.s32 $0x80;
	[sflag:s6] =	ssyncadd.s32 $0xFFFFE000  }
.LBB2_5:
0x4e: {  	[hbm:s17] =	stream.linear.scatter [tilespmem:s14], [sflag:$0x3], $0x400, $0x38;
	[tilespmem:$0x4080] =	vst v63  }
0x4f: {  	s17 =	smov.u32 s16;
	s14 =	smov.u32 s15;
	p1 =	sne.s32 s16, $0x380  }
.Ltmp4:
0x50: {  	s16 =	sadd.s32 $0x80, s16;
	(pc) =	sbr.rel @p1 .LBB2_5-.Ltmp4, $2  }
0x51: {  	_ =	sdelay $0x2  }
0x52: {  	s15 =	sadd.s32 $0x400, s15;
	s17 =	sadd.s32 s17, s13  }
.Ltmp5:
0x53: {  	_ = 	snop;
	(pc) =	sbr.rel .LBB2_6-.Ltmp5, $1  }
0x54: {  	_ =	sdelay $0x3  }
.LBB2_8:
0x55: {  	_ =	sfence.sel $0x180000  }
0x56: {  	s2 =	simm.s32 $0x2;
	[bflag:$0x0] =	sbarrier.arrive $0xFFFF  }
0x57: {  	s30 =	simm.s32 $0x3;
	[sflag:s2] =	ssyncpa.u1 $0x1  }
0x58: {  	s31 =	simm.s32 $0x1;
	[sflag:s30] =	ssyncpa.u1 $0x1  }
0x59: {  	[sflag:s31] =	ssyncpa.u1 $0x1  }
0x5a: {  	p0 =	sne.s32 s0, $0x0;
	_ =	strace $0x9000004A  }
0x5b: {  	s0 =	sadd.s32 @!p0 $0x100000, s1;
	[bflag:$0x2] =	sbarrier.arrive $0xFFFF  }
0x5c: {  	[sflag:s0] =	ssyncadd.tile.s32 @!p0 $0x1;
	_ =	shalt  }
.Lfunc_end2:
_tile_overlayer_lowered:
.L_overlay_start_2:
0x5d: {  	(tag) =	ssettag $0x2  }
0x5e: {  	s0 =	rddreg [dreg:$0x0];
	s2 =	stileid.u32  }
0x5f: {  	s1 =	rddreg [dreg:$0x1];
	p0 =	sne.s32 s2, $0x0  }
0x60: {  	s3 =	rddreg [dreg:$0x2];
	[bflag:$0x3] =	sbarrier.arrive $0xFFFF;
	s2 =	simm.s32 @!p0 $0x1C01  }
0x61: {  	[timem:s3], [sflag:s2] =	dma.local @!p0 [hbm:s0], s1  }
0x62: {  	s0 =	simm.s32 @!p0 $0x1  }
0x63: {  	_ =	swait.ge @!p0 [sflag:s0], s1  }
0x64: {  	s1 =	ssub.s32 @!p0 $0x0, s1;
	[sflag:s0] =	ssyncset.done @!p0 $0x0  }
0x65: {  	[sflag:s0] =	ssyncadd.s32 @!p0 s1  }
0x66: {  	[bflag:$0x3] =	sbarrier.arrive $0xFFFF  }
0x67: {  	_ =	shalt  }

// kernel: gather_offload_async_start
scs
__scs_entry_jumppad:
0x0: {  	(pc) =	sbr.rel $0x88, $3  }
0x1: {  	(tag) =	ssettag $0x0;
	lr =	simm.s32 $0x1  }
0x2: {  	[smem:$0x3F9B] =	sst lr;
	_ =	strace $0xD0000000  }
0x3: {  	_ = 	snop  }
0x4: {  	_ = 	snop  }
0x5: {  	_ = 	snop  }
0x6: {  	_ = 	snop  }
0x7: {  	_ = 	snop  }
__scs_overlays_trampoline_lowered:
0x8: {  	[smem:$0x3FAA] =	sst s0  }
0x9: {  	[smem:$0x3FAB] =	sst s1  }
0xa: {  	[smem:$0x3FAC] =	sst s2  }
0xb: {  	[smem:$0x3FAD] =	sst s3  }
0xc: {  	[smem:$0x3FAE] =	sst s4  }
0xd: {  	[smem:$0x3FAF] =	sst s5  }
0xe: {  	[smem:$0x3FB0] =	sst s6  }
0xf: {  	[smem:$0x3FB1] =	sst s7  }
0x10: {  	[smem:$0x3FB2] =	sst s8  }
0x11: {  	[smem:$0x3FB3] =	sst s9;
	s0 =	simm.s32 @!p0 $0x0  }
0x12: {  	s1 =	sld [smem:$0x3F99];
	s0 =	simm.s32 @p0 $0x1  }
0x13: {  	[smem:$0x3FB4] =	sst s0;
	s0 =	simm.s32 @!p1 $0x0  }
0x14: {  	s2 =	sld [smem:$0x3F98];
	s0 =	simm.s32 @p1 $0x1  }
0x15: {  	[smem:$0x3FB5] =	sst s0;
	s0 =	simm.s32 @!p2 $0x0  }
0x16: {  	s3 =	sld [smem:$0x3FDB];
	s0 =	simm.s32 @p2 $0x1  }
0x17: {  	s4 =	simm.s32 $0x1BF5;
	[smem:$0x3FB7] =	sst s0  }
0x18: {  	s0 =	sld [smem:$0x3F9A];
	_ =	swait.ge [sflag:s4], $0x0  }
0x19: {  	s7 =	sld [smem:$0x3F9B]  }
0x1a: {  	s8 =	sadd.s32 $0xFFFFE003, lr  }
0x1b: {  	s9 =	sadd.s32 $0xFFFFFEF7, lr;
	s5 =	simm.s32 $0xFFFFFFFF;
	p2 =	slt.u32 s8, $0xFFFFF086  }
0x1c: {  	p1 =	slt.u32 s9, $0xF7A;
	s5 =	simm.s32 @!p2 $0x0  }
0x1d: {  	s5 =	simm.s32 @p1 $0x1;
	p0 =	seq.s32 s7, s2  }
0x1e: {  	s7 =	smul.u32 @!p0 $0xF7A, s2;
	p2 =	seq.s32 @!p0 s5, $0x0  }
0x1f: {  	s9 =	smul.u32 $0xF7A, s1;
	s8 =	simm.s32 @!p0 $0x1BF5;
	p2 =	por !p2, p0  }
0x20: {  	[sflag:s8] =	ssyncset.s32 @!p0 $0xFFFFF086;
	s6 =	sadd.s32 @!p0 s3, s7;
	s7 =	simm.s32 @!p0 $0x108  }
0x21: {  	s3 =	sadd.s32 s3, s9;
	s6 =	sadd.s32 @!p0 $0x88, s6;
	s7 =	simm.s32 @p2 $0x1082  }
0x22: {  	[simem:s7], [sflag:s8] =	dma.local @!p0 [hbm:s6], $0xF7A  }
0x23: {  	s9 =	sor.u32 $0xD0000000, s2;
	s6 =	simm.s32 $0x108;
	_ =	swait.ge @!p0 [sflag:s8], $0x0  }
0x24: {  	s3 =	sadd.s32 $0x88, s3;
	s6 =	simm.s32 @!p1 $0x1082;
	[sflag:s4] =	ssyncset.s32 $0xFFFFF086  }
0x25: {  	[simem:s6], [sflag:s4] =	dma.local [hbm:s3], $0xF7A  }
0x26: {  	[smem:$0x3F9B] =	sst s1;
	(tag) =	ssettag s2;
	_ =	strace s9  }
0x27: {  	s1 =	sld [smem:$0x3FAB]  }
0x28: {  	s2 =	sld [smem:$0x3FAC]  }
0x29: {  	s4 =	sld [smem:$0x3FAE]  }
0x2a: {  	p0 =	seq.s32 s5, $0x0;
	s5 =	sld [smem:$0x3FAF]  }
0x2b: {  	s6 =	sld [smem:$0x3FB0]  }
0x2c: {  	s7 =	sld [smem:$0x3FB1]  }
0x2d: {  	s3 =	simm.s32 $0x108;
	s8 =	sld [smem:$0x3FB2]  }
0x2e: {  	s3 =	simm.s32 @!p0 $0x1082;
	s9 =	sld [smem:$0x3FB3]  }
0x2f: {  	lr =	sadd.s32 s0, s3;
	s0 =	sld [smem:$0x3FAA]  }
0x30: {  	s3 =	sld [smem:$0x3FAD]  }
0x31: {  	[smem:$0x3FB6] =	sst s10  }
0x32: {  	s10 =	sld [smem:$0x3FB4];
	_ =	sdelay $0x3  }
0x33: {  	p0 =	seq.s32 s10, $0x1;
	s10 =	sld [smem:$0x3FB6];
	_ =	sdelay $0x3  }
0x34: {  	[smem:$0x3FB6] =	sst s10  }
0x35: {  	s10 =	sld [smem:$0x3FB5];
	_ =	sdelay $0x3  }
0x36: {  	p1 =	seq.s32 s10, $0x1;
	s10 =	sld [smem:$0x3FB6];
	_ =	sdelay $0x3  }
0x37: {  	[smem:$0x3FB6] =	sst s10  }
0x38: {  	s10 =	sld [smem:$0x3FB7]  }
0x39: {  	_ = 	snop;
	(pc) =	sbr.ind lr, $3  }
0x3a: {  	_ = 	snop  }
0x3b: {  	_ = 	snop  }
0x3c: {  	p2 =	seq.s32 s10, $0x1;
	s10 =	sld [smem:$0x3FB6]  }
0x3d: {  	_ =	shalt  }
0x3e: {  	_ =	shalt  }
0x3f: {  	_ =	shalt  }
0x40: {  	_ =	shalt  }
0x41: {  	_ =	shalt  }
0x42: {  	_ =	shalt  }
0x43: {  	_ =	shalt  }
0x44: {  	_ =	shalt  }
0x45: {  	_ =	shalt  }
0x46: {  	_ =	shalt  }
0x47: {  	_ =	shalt  }
0x48: {  	_ =	shalt  }
0x49: {  	_ =	shalt  }
0x4a: {  	_ =	shalt  }
0x4b: {  	_ =	shalt  }
0x4c: {  	_ =	shalt  }
0x4d: {  	_ =	shalt  }
0x4e: {  	_ =	shalt  }
0x4f: {  	_ =	shalt  }
0x50: {  	_ =	shalt  }
0x51: {  	_ =	shalt  }
0x52: {  	_ =	shalt  }
0x53: {  	_ =	shalt  }
0x54: {  	_ =	shalt  }
0x55: {  	_ =	shalt  }
0x56: {  	_ =	shalt  }
0x57: {  	_ =	shalt  }
0x58: {  	_ =	shalt  }
0x59: {  	_ =	shalt  }
0x5a: {  	_ =	shalt  }
0x5b: {  	_ =	shalt  }
0x5c: {  	_ =	shalt  }
0x5d: {  	_ =	shalt  }
0x5e: {  	_ =	shalt  }
0x5f: {  	_ =	shalt  }
0x60: {  	_ =	shalt  }
0x61: {  	_ =	shalt  }
0x62: {  	_ =	shalt  }
0x63: {  	_ =	shalt  }
0x64: {  	_ =	shalt  }
0x65: {  	_ =	shalt  }
0x66: {  	_ =	shalt  }
0x67: {  	_ =	shalt  }
0x68: {  	_ =	shalt  }
0x69: {  	_ =	shalt  }
0x6a: {  	_ =	shalt  }
0x6b: {  	_ =	shalt  }
0x6c: {  	_ =	shalt  }
0x6d: {  	_ =	shalt  }
0x6e: {  	_ =	shalt  }
0x6f: {  	_ =	shalt  }
0x70: {  	_ =	shalt  }
0x71: {  	_ =	shalt  }
0x72: {  	_ =	shalt  }
0x73: {  	_ =	shalt  }
0x74: {  	_ =	shalt  }
0x75: {  	_ =	shalt  }
0x76: {  	_ =	shalt  }
0x77: {  	_ =	shalt  }
0x78: {  	_ =	shalt  }
0x79: {  	_ =	shalt  }
0x7a: {  	_ =	shalt  }
0x7b: {  	_ =	shalt  }
0x7c: {  	_ =	shalt  }
0x7d: {  	_ =	shalt  }
0x7e: {  	_ =	shalt  }
0x7f: {  	_ =	shalt  }
0x80: {  	_ =	shalt  }
0x81: {  	_ =	shalt  }
0x82: {  	_ =	shalt  }
0x83: {  	_ =	shalt  }
0x84: {  	_ =	shalt  }
0x85: {  	_ =	shalt  }
0x86: {  	_ =	shalt  }
0x87: {  	_ =	shalt  }
.Lfunc_end0:
.L_simem_size_0:
called_computation_lowered:
.L_overlay_start_0:
0x88: {  	s2 =	sld [smem:$0x3FD9]  }
0x89: {  	s3 =	sld [smem:$0x3FFE];
	_ =	sdelay $0x1  }
0x8a: {  	s1 =	srdreg.scid  }
0x8b: {  	s0 =	sand.u32 $0x1, s1  }
0x8c: {  	s14 =	sshll.u32 s0, $0xA;
	s2 =	sadd.s32 s3, s2  }
0x8d: {  	s2 =	sadd.s32 s2, s14  }
0x8e: {  	[smem:$0x3FC2] =	sst s2  }
0x8f: {  	_ = 	snop  }
0x90: {  	s2 =	sld [smem:$0x3FD0];
	_ =	sdelay $0x2  }
0x91: {  	s15 =	simm.s32 $0xB;
	s4 =	simm.s32 $0x10  }
0x92: {  	[smem:s4], [sflag:s15] =	dma.local [hbm:s2], $0x1  }
0x93: {  	_ =	swait.eq [sflag:s15], $0x1  }
0x94: {  	[sflag:s15] =	ssyncset.done $0x0  }
0x95: {  	s16 =	sld [smem:$0x10];
	[sflag:s15] =	ssyncadd.s32 $0xFFFFFFFF  }
0x96: {  	s17 =	sld [smem:$0x13];
	(tm) =	ssettm $0x1  }
0x97: {  	s18 =	sld [smem:$0x3FFB];
	_ =	sdelay $0x3  }
0x98: {  	_ =	strace s18  }
0x99: {  	s4 =	sld [smem:$0x3FFC];
	_ =	sdelay $0x3  }
0x9a: {  	_ =	strace s4  }
0x9b: {  	s4 =	sld [smem:$0x3FFD];
	_ =	sdelay $0x3  }
0x9c: {  	_ =	strace s4  }
0x9d: {  	_ =	strace $0x8FFFFFFF  }
0x9e: {  	s19 =	sld [smem:$0x3FDB];
	_ =	sdelay $0x1  }
0x9f: {  	s5 =	simm.s32 $_scs_section_size  }
0xa0: {  	s6 =	simm.s32 $_size__tile_overlayer_lowered;
	s7 =	simm.s32 $_tile_overlayer_lowered  }
0xa1: {  	s22 =	simm.s32 $0x1BFF;
	s21 =	sshll.u32 s7, $0x1;
	s4 =	sadd.s32 s5, s19  }
0xa2: {  	s8 =	simm.s32 $0x0;
	s20 =	sshll.u32 s6, $0x1;
	s6 =	sadd.s32 s21, s4  }
0xa3: {  	[timem:s8], [sflag:s22] =	dma.local [hbm:s6], s20  }
0xa4: {  	_ =	swait.ge [sflag:s22], s20  }
0xa5: {  	s5 =	ssub.s32 $0x0, s20;
	[sflag:s22] =	ssyncset.done $0x0  }
0xa6: {  	[sflag:s22] =	ssyncadd.s32 s5;
	_ =	sdelay $0x1  }
0xa7: {  	s23 =	simm.s32 $0x1B8B  }
0xa8: {  	_ =	swait.ge [sflag:s23], $0x1  }
0xa9: {  	[sflag:s23] =	ssyncset.done $0x0  }
0xaa: {  	s25 =	simm.s32 $0x1B8E;
	s24 =	sld [smem:$0x3FFE];
	[sflag:s23] =	ssyncadd.s32 $0xFFFFFFFF  }
0xab: {  	s26 =	simm.s32 $execute0_lowered;
	[smem:$0x3FD2] =	sst s25  }
0xac: {  	s6 =	sshll.u32 s26, $0x1;
	_ =	strace $0x8000004C;
	[dreg:$0x1] =	wrdreg $0xFFFFFFFF  }
0xad: {  	s28 =	simm.s32 $_size_execute0_lowered;
	s4 =	sadd.s32 s4, s6;
	[dreg:$0x0] =	wrdreg $0x0  }
0xae: {  	s6 =	sshll.u32 s28, $0x1;
	[dreg:$0x2] =	wrdreg s4  }
0xaf: {  	[dreg:$0x3] =	wrdreg s6  }
0xb0: {  	[dreg:$0x4] =	wrdreg $0xC0  }
0xb1: {  	_ =	task [dreg:s8], $0x5FFFF  }
0xb2: {  	[dreg:$0x1] =	wrdreg $0xFFFFFFFF  }
0xb3: {  	[dreg:$0x0] =	wrdreg $0x60  }
0xb4: {  	[dreg:$0x2] =	wrdreg s24  }
0xb5: {  	[dreg:$0x3] =	wrdreg s17  }
0xb6: {  	[dreg:$0x4] =	wrdreg s16  }
0xb7: {  	[dreg:$0x5] =	wrdreg $0x9  }
0xb8: {  	_ =	task.clear_ibuf [dreg:s8], $0x6FFFF;
	_ =	strace $0x9000004C  }
0xb9: {  	s29 =	simm.s32 $0x9;
	_ =	strace $0x8000004E  }
0xba: {  	_ =	swait.ge [sflag:s29], $0x1  }
0xbb: {  	[sflag:s29] =	ssyncadd.s32 $0xFFFFFFFF  }
0xbc: {  	_ =	strace $0x9000004E  }
0xbd: {  	_ =	sfence  }
0xbe: {  	s30 =	sld [smem:$0x0];
	_ =	sdelay $0x2  }
0xbf: {  	s31 =	sshll.u32 s1, $0xD;
	s1 =	sshrl.u32 s1, $0x2  }
0xc0: {  	s3 =	sand.u32 $0x4000, s31;
	s1 =	sadd.s32 s1, s30  }
0xc1: {  	s0 =	sor.u32 s3, s0;
	s1 =	sshll.u32 s1, $0x11  }
0xc2: {  	s0 =	sor.u32 s1, s0  }
0xc3: {  	s0 =	sadd.s32 $0x8F2B, s0  }
0xc4: {  	[sflag:s0] =	ssyncadd.remote.s32 $0x1  }
0xc5: {  	_ =	sfence.sel $0xFFFF  }
0xc6: {  	[dreg:$0x0] =	wrdreg $0xFFFFFFFF;
	(pc) =	sbr.abs _section_cstart, $3  }
0xc7: {  	[dreg:$0x1] =	wrdreg $0xFFFFFFFF  }
0xc8: {  	_ =	task.clear_ibuf [dreg:s8], $0x2FFFF;
	_ =	strace $0x9FFFFFFF  }
0xc9: {  	(tm) =	ssettm $0x7FFFFFFF  }
tec
execute0_lowered:
.L_overlay_start_1:
0x0: {  	(tag) =	ssettag $0x1  }
0x1: {  	s0 =	srdreg.scid  }
0x2: {  	s1 =	sshll.u32 s0, $0x4  }
0x3: {  	s0 =	stileid.u32;
	s1 =	sand.u32 $0x10, s1  }
0x4: {  	s9 =	rddreg [dreg:$0x0];
	s1 =	sor.u32 s0, s1  }
0x5: {  	s3 =	rddreg [dreg:$0x1];
	s2 =	smin.u32 s1, $0x12  }
0x6: {  	p0 =	slt.u32 s1, $0x12;
	s2 =	sadd.s32 s1, s2;
	s1 =	simm.s32 $0x80  }
0x7: {  	s4 =	rddreg [dreg:$0x2];
	s2 =	sshll.u32 s2, $0x6;
	s1 =	simm.s32 @!p0 $0x40  }
0x8: {  	s6 =	simm.s32 $0x1;
	s7 =	simm.s32 $0x2;
	s1 =	sadd.s32 s1, s2  }
0x9: {  	s10 =	simm.s32 $0x3;
	s13 =	simm.s32 $0x0;
	s5 =	smin.u32 s1, $0xC80  }
.Ltmp0:
0xa: {  	s12 =	simm.s32 $0x0;
	s8 =	ssub.s32 s5, s2;
	(pc) =	sbr.rel .LBB2_1-.Ltmp0, $4  }
0xb: {  	s1 =	rddreg [dreg:$0x3];
	_ =	strace $0x8000004D;
	p0 =	sgt.s32 s8, $0x0  }
0xc: {  	s9 =	sadd.s32 $0x57A00, s9;
	[sflag:s6] =	ssyncpa.u1 $0x0;
	s8 =	simm.s32 @!p0 $0x0  }
0xd: {  	s11 =	smov.u32 s2;
	[sflag:s7] =	ssyncpa.u1 $0x0;
	s8 =	sshrl.u32 s8, $0x6  }
0xe: {  	vm0 =	vmmov $0xff;
	vm1 =	vcmask $0x3F20;
	[sflag:s10] =	ssyncpa.u1 $0x0;
	p0 =	por $0x0, $0x0;
	s10 =	sadd.s32 $0x1, s8  }
.LBB2_6:
0xf: {  	[hbm:s17] =	stream.linear.scatter [tilespmem:s14], [sflag:$0x3], $0x400, $0x38;
	[tilespmem:$0x4080] =	vst v63  }
.LBB2_7:
0x10: {  	s13 =	sadd.s32 $0x40, s11  }
0x11: {  	s15 =	smov.u32 s2;
	p2 =	slt.s32 s13, s5  }
0x12: {  	s15 =	smov.u32 @p2 s13;
	p2 =	sne.s32 s12, s10  }
.Ltmp1:
0x13: {  	p1 =	slt.u32 s12, $0x2;
	(pc) =	sbr.rel @!p2 .LBB2_8-.Ltmp1, $4  }
0x14: {  	s14 =	simm.s32 @!p1 $0x3  }
0x15: {  	s16 =	sadd.s32 $0x1, s12;
	_ =	swait.ge @!p1 [sflag:s14], $0x2000  }
0x16: {  	p0 =	por !p0, !p0;
	s13 =	smov.u32 s11;
	[sflag:s14] =	ssyncset.done @!p1 $0x0  }
0x17: {  	s12 =	smov.u32 s16;
	s11 =	smov.u32 s15;
	[sflag:s14] =	ssyncadd.s32 @!p1 $0xFFFFE000  }
.LBB2_1:
0x18: {  	p1 =	sge.u32 s12, s8  }
0x19: {  	s14 =	sxor.u32 @!p1 $0xFFFFFFFF, s12  }
0x1a: {  	s31 =	sadd.s32 $0xFFFFFFFF, s12;
	s15 =	sshrl.u32 @!p1 s11, $0x3;
	s14 =	sshll.u32 @!p1 s14, $0x6  }
0x1b: {  	s16 =	sand.u32 @!p1 $0x7, s11;
	s15 =	sadd.s32 @!p1 s3, s15;
	s14 =	sand.u32 @!p1 $0x40, s14  }
0x1c: {  	[tilespmem:s14], [sflag:$0x2] =	stream.linear.gather @!p1 [hbm4b:s15+s16], $0x40, $0x38;
	[tilespmem:$0x4080] =	vst v63  }
0x1d: {  	p1 =	sge.u32 s31, s8  }
.Ltmp2:
0x1e: {  	_ = 	snop;
	(pc) =	sbr.rel @p1 .LBB2_7-.Ltmp2, $1  }
0x1f: {  	_ =	sdelay $0x3  }
0x20: {  	s14 =	simm.s32 $0x1  }
0x21: {  	_ =	swait.ge [sflag:s7], $0x40;
	s14 =	simm.s32 @!p0 $0x0  }
0x22: {  	[sflag:s7] =	ssyncset.done $0x0;
	s16 =	sshll.u32 s14, $0x6  }
0x23: {  	[sflag:s7] =	ssyncadd.s32 $0xFFFFFFC0;
	s15 =	sadd.s32 $0x0, s16  }
0x24: {  	v0 =	vld.msk [tilespmem:s15+$0x0 ss:$0x1], $0xffff;
	_ =	sdelay $0x4  }
0x25: {  	v1 =	vshll.u32 v0, $0x7  }
0x26: {  	vm2 =	veq.s32 v0, $0x80000000;
	v0 =	vand.u32 $0xF80, v1  }
0x27: {  	v1 =	vand.u32 $0x1FF000, v1;
	v0 =	vsel vm2, $0xFFFFFF80, v0  }
0x28: {  	v1 =	vsel vm2, $0xFFFFF000, v1;
	v2 =	vand.u32 $0xFFFFFC00, v0  }
0x29: {  	v0 =	vand.u32 $0x380, v0;
	v1 =	vadd.s32 v1, v2  }
0x2a: {  	v0 =	vor.u32 v0, v1  }
0x2b: {  	v0 =	vshrl.u32 v0, $0x3;
	_ =	sdelay $0x2  }
0x2c: {  	s14 =	sshll.u32 s14, $0xD  }
0x2d: {  	s14 =	sor.u32 $0x80, s14  }
0x2e: {  	[tilespmem:s14], [sflag:$0x1] =	stream.indirect_vreg.gather [hbm:s9], $0x80, v0, vm0, $0x38;
	[tilespmem:$0x4080] =	vst v63  }
0x2f: {  	s17 =	sadd.s32 $0x10, s16;
	s15 =	sadd.s32 $0x400, s14  }
0x30: {  	[tilespmem:s15], [sflag:$0x1] =	stream.indirect_vreg.gather [hbm:s9], $0x80, v0, vm1, $0x38;
	[tilespmem:$0x4080] =	vst v63  }
0x31: {  	s18 =	simm.s32 $0x80;
	v0 =	vld.msk [tilespmem:s17+$0x0 ss:$0x1], $0xffff;
	s17 =	smov.u32 s14  }
.LBB2_3:
0x32: {  	p1 =	sne.s32 s18, $0xC0;
	_ =	sdelay $0x4  }
0x33: {  	v1 =	vshll.u32 v0, $0x7  }
0x34: {  	vm2 =	veq.s32 v0, $0x80000000;
	v0 =	vand.u32 $0xF80, v1  }
0x35: {  	v1 =	vand.u32 $0x1FF000, v1;
	v0 =	vsel vm2, $0xFFFFFF80, v0  }
0x36: {  	v1 =	vsel vm2, $0xFFFFF000, v1;
	v2 =	vand.u32 $0xFFFFFC00, v0  }
0x37: {  	v0 =	vand.u32 $0x380, v0;
	v1 =	vadd.s32 v1, v2  }
0x38: {  	v0 =	vor.u32 v0, v1  }
0x39: {  	v0 =	vshrl.u32 v0, $0x3;
	_ =	sdelay $0x3  }
.Ltmp3:
0x3a: {  	s19 =	sshra.s32 s18, $0x2;
	s17 =	sadd.s32 $0x800, s17;
	(pc) =	sbr.rel @p1 .LBB2_3-.Ltmp3, $4  }
0x3b: {  	[tilespmem:s17], [sflag:$0x1] =	stream.indirect_vreg.gather [hbm:s9], $0x80, v0, vm0, $0x38;
	[tilespmem:$0x4080] =	vst v63  }
0x3c: {  	s19 =	sadd.s32 s19, s16;
	s20 =	sadd.s32 $0x400, s17  }
0x3d: {  	[tilespmem:s20], [sflag:$0x1] =	stream.indirect_vreg.gather [hbm:s9], $0x80, v0, vm1, $0x38;
	[tilespmem:$0x4080] =	vst v63  }
0x3e: {  	s18 =	sadd.s32 $0x40, s18;
	v0 =	vld.msk [tilespmem:s19+$0x0 ss:$0x1], $0xffff  }
0x3f: {  	_ =	sdelay $0x3  }
0x40: {  	v1 =	vshll.u32 v0, $0x7  }
0x41: {  	vm2 =	veq.s32 v0, $0x80000000;
	v63 =	vand.u32 $0xF80, v1  }
0x42: {  	v1 =	vand.u32 $0x1FF000, v1;
	v0 =	vsel vm2, $0xFFFFFF80, v63  }
0x43: {  	v1 =	vsel vm2, $0xFFFFF000, v1;
	v2 =	vand.u32 $0xFFFFFC00, v0  }
0x44: {  	v0 =	vand.u32 $0x380, v0;
	v1 =	vadd.s32 v1, v2  }
0x45: {  	v0 =	vor.u32 v0, v1  }
0x46: {  	v0 =	vshrl.u32 v0, $0x3;
	_ =	sdelay $0x3  }
0x47: {  	s16 =	sadd.s32 $0x800, s17  }
0x48: {  	[tilespmem:s16], [sflag:$0x1] =	stream.indirect_vreg.gather [hbm:s9], $0x80, v0, vm0, $0x38;
	[tilespmem:$0x4080] =	vst v63  }
0x49: {  	s16 =	sadd.s32 $0x400, s16  }
0x4a: {  	[tilespmem:s16], [sflag:$0x1] =	stream.indirect_vreg.gather [hbm:s9], $0x80, v0, vm1, $0x38;
	[tilespmem:$0x4080] =	vst v63  }
0x4b: {  	s13 =	sshll.u32 s13, $0x4;
	_ =	swait.ge [sflag:s6], $0x2000  }
0x4c: {  	s13 =	sadd.s32 s13, s4;
	[sflag:s6] =	ssyncset.done $0x0  }
0x4d: {  	s17 =	sadd.s32 $0x0, s13;
	s16 =	simm.s32 $0x80;
	[sflag:s6] =	ssyncadd.s32 $0xFFFFE000  }
.LBB2_5:
0x4e: {  	[hbm:s17] =	stream.linear.scatter [tilespmem:s14], [sflag:$0x3], $0x400, $0x38;
	[tilespmem:$0x4080] =	vst v63  }
0x4f: {  	s17 =	smov.u32 s16;
	s14 =	smov.u32 s15;
	p1 =	sne.s32 s16, $0x380  }
.Ltmp4:
0x50: {  	s16 =	sadd.s32 $0x80, s16;
	(pc) =	sbr.rel @p1 .LBB2_5-.Ltmp4, $2  }
0x51: {  	_ =	sdelay $0x2  }
0x52: {  	s15 =	sadd.s32 $0x400, s15;
	s17 =	sadd.s32 s17, s13  }
.Ltmp5:
0x53: {  	_ = 	snop;
	(pc) =	sbr.rel .LBB2_6-.Ltmp5, $1  }
0x54: {  	_ =	sdelay $0x3  }
.LBB2_8:
0x55: {  	_ =	sfence.sel $0x180000  }
0x56: {  	s2 =	simm.s32 $0x2;
	[bflag:$0x0] =	sbarrier.arrive $0xFFFF  }
0x57: {  	s30 =	simm.s32 $0x3;
	[sflag:s2] =	ssyncpa.u1 $0x1  }
0x58: {  	s31 =	simm.s32 $0x1;
	[sflag:s30] =	ssyncpa.u1 $0x1  }
0x59: {  	[sflag:s31] =	ssyncpa.u1 $0x1  }
0x5a: {  	p0 =	sne.s32 s0, $0x0;
	_ =	strace $0x9000004D  }
0x5b: {  	s0 =	sadd.s32 @!p0 $0x100000, s1;
	[bflag:$0x2] =	sbarrier.arrive $0xFFFF  }
0x5c: {  	[sflag:s0] =	ssyncadd.tile.s32 @!p0 $0x1;
	_ =	shalt  }
.Lfunc_end2:
_tile_overlayer_lowered:
.L_overlay_start_2:
0x5d: {  	(tag) =	ssettag $0x2  }
0x5e: {  	s0 =	rddreg [dreg:$0x0];
	s2 =	stileid.u32  }
0x5f: {  	s1 =	rddreg [dreg:$0x1];
	p0 =	sne.s32 s2, $0x0  }
0x60: {  	s3 =	rddreg [dreg:$0x2];
	[bflag:$0x3] =	sbarrier.arrive $0xFFFF;
	s2 =	simm.s32 @!p0 $0x1C01  }
0x61: {  	[timem:s3], [sflag:s2] =	dma.local @!p0 [hbm:s0], s1  }
0x62: {  	s0 =	simm.s32 @!p0 $0x1  }
0x63: {  	_ =	swait.ge @!p0 [sflag:s0], s1  }
0x64: {  	s1 =	ssub.s32 @!p0 $0x0, s1;
	[sflag:s0] =	ssyncset.done @!p0 $0x0  }
0x65: {  	[sflag:s0] =	ssyncadd.s32 @!p0 s1  }
0x66: {  	[bflag:$0x3] =	sbarrier.arrive $0xFFFF  }
0x67: {  	_ =	shalt  }

</sc_bundles>
